<compile_context>
chip_gen: v7x
topology: tpu7x:2x2x1
jax: 0.10.2.dev20260603
libtpu: 0.0.44.dev20260713+nightly
codegen_flags: <defaults>
</compile_context>

<pallas_src>
import functools

import jax
import jax.numpy as jnp
from jax.experimental import pallas as pl
from jax.experimental.pallas import tpu as pltpu

F32 = jnp.float32
_BM = 256
_BK = 2048


def _mm_body(x_ref, w_ref, o_ref):
    o_ref[...] = jnp.dot(x_ref[...], w_ref[...], preferred_element_type=F32)


def _mm(x, w, bm=512):
    m, k = x.shape
    n = w.shape[1]
    return pl.pallas_call(
        _mm_body,
        grid=(m // bm,),
        in_specs=[pl.BlockSpec((bm, k), lambda i: (i, 0)),
                  pl.BlockSpec((k, n), lambda i: (0, 0))],
        out_specs=pl.BlockSpec((bm, n), lambda i: (i, 0)),
        out_shape=jax.ShapeDtypeStruct((m, n), F32),
    )(x, w)


def _gcn_body(adj_ref, xk_ref, xi_ref, w_ref, o_ref, rs_ref, acc, rsacc,
              *, nk, fuse_w):
    k = pl.program_id(1)

    @pl.when(k == 0)
    def _():
        acc[...] = jnp.zeros_like(acc)
        rsacc[...] = jnp.zeros_like(rsacc)

    a = adj_ref[...]
    acc[...] += jnp.dot(a, xk_ref[...], preferred_element_type=F32)
    rsacc[...] += jnp.sum(a, axis=1, keepdims=True)

    @pl.when(k == nk - 1)
    def _():
        rs = rsacc[...] + 1.0
        h = jnp.maximum((acc[...] + xi_ref[...]) / rs, 0.0)
        if fuse_w:
            h = jnp.dot(h, w_ref[...], preferred_element_type=F32)
        o_ref[...] = h
        rs_ref[...] = rsacc[...]


def _gcn(adj, x, w, fuse_w):
    n = adj.shape[0]
    h = x.shape[1]
    nk = n // _BK
    body = functools.partial(_gcn_body, nk=nk, fuse_w=fuse_w)
    return pl.pallas_call(
        body,
        grid=(n // _BM, nk),
        in_specs=[pl.BlockSpec((_BM, _BK), lambda i, k: (i, k)),
                  pl.BlockSpec((_BK, h), lambda i, k: (k, 0)),
                  pl.BlockSpec((_BM, h), lambda i, k: (i, 0)),
                  pl.BlockSpec(w.shape, lambda i, k: (0, 0))],
        out_specs=[pl.BlockSpec((_BM, h), lambda i, k: (i, 0)),
                   pl.BlockSpec((_BM, 1), lambda i, k: (i, 0))],
        out_shape=[jax.ShapeDtypeStruct((n, h), F32),
                   jax.ShapeDtypeStruct((n, 1), F32)],
        scratch_shapes=[pltpu.VMEM((_BM, h), F32), pltpu.VMEM((_BM, 1), F32)],
    )(adj, x, x, w)


def _nbr_body(ce_ref, v_ref, nbr_ref):
    ce = ce_ref[...]
    v = v_ref[...]
    p = ce.shape[0]
    sq = jnp.sum(ce * ce, axis=1, keepdims=True)
    g = jax.lax.dot_general(ce, ce, (((1,), (1,)), ((), ())),
                            preferred_element_type=F32)
    d2 = jnp.maximum(sq + sq.T - 2.0 * g, 0.0)
    d = jnp.sqrt(d2 + 1e-12)
    pair = (v > 0.5) & (v.T > 0.5)
    num = jnp.sum(v)
    maxd = jnp.max(jnp.where(pair, d, -jnp.inf))
    maxd = jnp.where(num > 0.5, maxd, 0.0)
    eye = (jax.lax.broadcasted_iota(jnp.int32, d.shape, 0)
           == jax.lax.broadcasted_iota(jnp.int32, d.shape, 1))
    d = d + jnp.where(eye, maxd + 100.0, 0.0)
    d = jnp.where(pair, d, jnp.float32(jnp.inf))
    m = jnp.min(d, axis=1, keepdims=True)
    colid = jax.lax.broadcasted_iota(jnp.int32, d.shape, 1)
    nbr_ref[...] = jnp.min(jnp.where(d == m, colid, p), axis=1, keepdims=True)


def _nbr(ce, validf):
    p, h = ce.shape
    return pl.pallas_call(
        _nbr_body,
        in_specs=[pl.BlockSpec((p, h), lambda: (0, 0)),
                  pl.BlockSpec((p, 1), lambda: (0, 0))],
        out_specs=pl.BlockSpec((p, 1), lambda: (0, 0)),
        out_shape=jax.ShapeDtypeStruct((p, 1), jnp.int32),
    )(ce, validf)


def _strip_body(s1_ref, s2_ref, v_ref, adj_ref, emb_ref, r_ref, eo_ref,
                acc, acce, *, br, nr):
    c = pl.program_id(0)
    r = pl.program_id(1)

    @pl.when(r == 0)
    def _():
        acc[...] = jnp.zeros_like(acc)

    rowid = jax.lax.broadcasted_iota(jnp.int32, (acc.shape[0], br), 1) + r * br
    s = ((rowid == s1_ref[...]).astype(F32)
         + (rowid == s2_ref[...]).astype(F32)) * v_ref[...]
    acc[...] += jnp.dot(s, adj_ref[...], preferred_element_type=F32)

    @pl.when(c == 0)
    def _():
        @pl.when(r == 0)
        def _():
            acce[...] = jnp.zeros_like(acce)
        acce[...] += jnp.dot(s, emb_ref[...], preferred_element_type=F32)

        @pl.when(r == nr - 1)
        def _():
            eo_ref[...] = acce[...] * 0.5

    @pl.when(r == nr - 1)
    def _():
        r_ref[...] = jnp.minimum(acc[...], 1.0)


def _strips(adj, embed, src1, src2, validf):
    n = adj.shape[0]
    p = src1.shape[0]
    h = embed.shape[1]
    br, bc = 2048, 1024
    nr = n // br
    nc = n // bc
    body = functools.partial(_strip_body, br=br, nr=nr)
    return pl.pallas_call(
        body,
        grid=(nc, nr),
        in_specs=[pl.BlockSpec((p, 1), lambda c, r: (0, 0)),
                  pl.BlockSpec((p, 1), lambda c, r: (0, 0)),
                  pl.BlockSpec((p, 1), lambda c, r: (0, 0)),
                  pl.BlockSpec((br, bc), lambda c, r: (r, c)),
                  pl.BlockSpec((br, h), lambda c, r: (r, 0))],
        out_specs=[pl.BlockSpec((p, bc), lambda c, r: (0, c)),
                   pl.BlockSpec((p, h), lambda c, r: (0, 0))],
        out_shape=[jax.ShapeDtypeStruct((p, n), F32),
                   jax.ShapeDtypeStruct((p, h), F32)],
        scratch_shapes=[pltpu.VMEM((p, bc), F32), pltpu.VMEM((p, h), F32)],
    )(src1[:, None], src2[:, None], validf, adj, embed)


def _main_body(adj_ref, yde_ref, e2k_ref, y0k_ref, e2app_ref, y0app_ref,
               r_ref, rsadj_ref, hc1_ref, rsnew_ref, sums_ref,
               acc, strip, rse, *, nk):
    i = pl.program_id(0)
    k = pl.program_id(1)
    a = adj_ref[...]
    yde = yde_ref[...]

    @pl.when((i == 0) & (k == 0))
    def _():
        sums_ref[...] = jnp.zeros_like(sums_ref)

    @pl.when(k == 0)
    def _():
        glog_pt = jax.lax.dot_general(e2app_ref[...], yde,
                                      (((1,), (1,)), ((), ())),
                                      preferred_element_type=F32)
        s_p = r_ref[...] * (glog_pt >= 0.0).astype(F32)
        strip[...] = jax.lax.dot_general(s_p, y0app_ref[...],
                                         (((0,), (0,)), ((), ())),
                                         preferred_element_type=F32)
        rse[...] = jnp.sum(s_p, axis=0)[:, None]
        acc[...] = jnp.zeros_like(acc)

    acc[...] += jnp.dot(a, y0k_ref[...], preferred_element_type=F32)

    glog = jax.lax.dot_general(yde, e2k_ref[...], (((1,), (1,)), ((), ())),
                               preferred_element_type=F32)
    rec = jax.nn.sigmoid(glog)
    nz = a != 0.0
    dz = jnp.where(nz, 0.0, rec)
    dn = jnp.where(nz, rec - a, 0.0)
    lane = jax.lax.broadcasted_iota(jnp.int32, (1, 128), 1)
    upd = (jnp.where(lane == 0, jnp.sum(dz * dz), 0.0)
           + jnp.where(lane == 1, jnp.sum(dn * dn), 0.0)
           + jnp.where(lane == 2, jnp.sum(nz.astype(F32)), 0.0))
    sums_ref[...] += upd

    @pl.when(k == nk - 1)
    def _():
        rs = rsadj_ref[...] + rse[...]
        inv = jnp.where(rs > 0.0, 1.0 / rs, 0.0)
        hc1_ref[...] = jnp.maximum((acc[...] + strip[...]) * inv, 0.0)
        rsnew_ref[...] = rs


def _main_top(adj, yde_n, e2_n, y0_n, e2_app, y0_app, r, rs_adj):
    n = adj.shape[0]
    h = e2_n.shape[1]
    p = e2_app.shape[0]
    nk = n // _BK
    body = functools.partial(_main_body, nk=nk)
    return pl.pallas_call(
        body,
        grid=(n // _BM, nk),
        in_specs=[pl.BlockSpec((_BM, _BK), lambda i, k: (i, k)),
                  pl.BlockSpec((_BM, h), lambda i, k: (i, 0)),
                  pl.BlockSpec((_BK, h), lambda i, k: (k, 0)),
                  pl.BlockSpec((_BK, h), lambda i, k: (k, 0)),
                  pl.BlockSpec((p, h), lambda i, k: (0, 0)),
                  pl.BlockSpec((p, h), lambda i, k: (0, 0)),
                  pl.BlockSpec((p, _BM), lambda i, k: (0, i)),
                  pl.BlockSpec((_BM, 1), lambda i, k: (i, 0))],
        out_specs=[pl.BlockSpec((_BM, h), lambda i, k: (i, 0)),
                   pl.BlockSpec((_BM, 1), lambda i, k: (i, 0)),
                   pl.BlockSpec((1, 128), lambda i, k: (0, 0))],
        out_shape=[jax.ShapeDtypeStruct((n, h), F32),
                   jax.ShapeDtypeStruct((n, 1), F32),
                   jax.ShapeDtypeStruct((1, 128), F32)],
        scratch_shapes=[pltpu.VMEM((_BM, h), F32),
                        pltpu.VMEM((_BM, h), F32),
                        pltpu.VMEM((_BM, 1), F32)],
    )(adj, yde_n, e2_n, y0_n, e2_app, y0_app, r, rs_adj)


def _bottom_body(r_ref, ydeapp_ref, e2k_ref, xk_ref, o_ref, rs_ref,
                 acc, rsacc, *, nk):
    k = pl.program_id(0)

    @pl.when(k == 0)
    def _():
        acc[...] = jnp.zeros_like(acc)
        rsacc[...] = jnp.zeros_like(rsacc)

    glog = jax.lax.dot_general(ydeapp_ref[...], e2k_ref[...],
                               (((1,), (1,)), ((), ())),
                               preferred_element_type=F32)
    s = r_ref[...] * (glog >= 0.0).astype(F32)
    acc[...] += jnp.dot(s, xk_ref[...], preferred_element_type=F32)
    rsacc[...] += jnp.sum(s, axis=1, keepdims=True)

    @pl.when(k == nk - 1)
    def _():
        rs = rsacc[...]
        inv = jnp.where(rs > 0.0, 1.0 / rs, 0.0)
        o_ref[...] = jnp.maximum(acc[...] * inv, 0.0)
        rs_ref[...] = rs


def _bottom(r, yde_app, e2_n, x_n):
    p, n = r.shape
    h = e2_n.shape[1]
    nk = n // _BK
    body = functools.partial(_bottom_body, nk=nk)
    return pl.pallas_call(
        body,
        grid=(nk,),
        in_specs=[pl.BlockSpec((p, _BK), lambda k: (0, k)),
                  pl.BlockSpec((p, h), lambda k: (0, 0)),
                  pl.BlockSpec((_BK, h), lambda k: (k, 0)),
                  pl.BlockSpec((_BK, h), lambda k: (k, 0))],
        out_specs=[pl.BlockSpec((p, h), lambda k: (0, 0)),
                   pl.BlockSpec((p, 1), lambda k: (0, 0))],
        out_shape=[jax.ShapeDtypeStruct((p, h), F32),
                   jax.ShapeDtypeStruct((p, 1), F32)],
        scratch_shapes=[pltpu.VMEM((p, h), F32), pltpu.VMEM((p, 1), F32)],
    )(r, yde_app, e2_n, x_n)


def _cls2_top_body(adjp_ref, zk_ref, ydep_ref, e2app_ref, zapp_ref, rp_ref,
                   rsp_ref, o_ref, acc, *, nk):
    k = pl.program_id(0)

    @pl.when(k == 0)
    def _():
        acc[...] = jnp.zeros_like(acc)

    acc[...] += jnp.dot(adjp_ref[...], zk_ref[...], preferred_element_type=F32)

    @pl.when(k == nk - 1)
    def _():
        glog_pt = jax.lax.dot_general(e2app_ref[...], ydep_ref[...],
                                      (((1,), (1,)), ((), ())),
                                      preferred_element_type=F32)
        s_p = rp_ref[...] * (glog_pt >= 0.0).astype(F32)
        term = jax.lax.dot_general(s_p, zapp_ref[...],
                                   (((0,), (0,)), ((), ())),
                                   preferred_element_type=F32)
        rs = rsp_ref[...]
        inv = jnp.where(rs > 0.0, 1.0 / rs, 0.0)
        o_ref[...] = jnp.maximum((acc[...] + term) * inv, 0.0)


def _cls2_top(adj_p, z_n, yde_p, e2_app, z_app, r_p, rs_p):
    p, n = adj_p.shape
    h = z_n.shape[1]
    nk = n // _BK
    body = functools.partial(_cls2_top_body, nk=nk)
    return pl.pallas_call(
        body,
        grid=(nk,),
        in_specs=[pl.BlockSpec((p, _BK), lambda k: (0, k)),
                  pl.BlockSpec((_BK, h), lambda k: (k, 0)),
                  pl.BlockSpec((p, h), lambda k: (0, 0)),
                  pl.BlockSpec((p, h), lambda k: (0, 0)),
                  pl.BlockSpec((p, h), lambda k: (0, 0)),
                  pl.BlockSpec((p, p), lambda k: (0, 0)),
                  pl.BlockSpec((p, 1), lambda k: (0, 0))],
        out_specs=pl.BlockSpec((p, h), lambda k: (0, 0)),
        out_shape=jax.ShapeDtypeStruct((p, h), F32),
        scratch_shapes=[pltpu.VMEM((p, h), F32)],
    )(adj_p, z_n, yde_p, e2_app, z_app, r_p, rs_p)


def _loss_ce_body(h1_ref, h2_ref, w_ref, l1_ref, l2_ref, v_ref, o_ref,
                  *, ncls):
    p = h1_ref.shape[0]
    lg1 = jnp.dot(h1_ref[...], w_ref[...], preferred_element_type=F32)
    lg2 = jnp.dot(h2_ref[...], w_ref[...], preferred_element_type=F32)
    col = jax.lax.broadcasted_iota(jnp.int32, (p, 128), 1)
    inc = col < ncls

    def nll(lg, lab):
        mm = jnp.where(inc, lg, -jnp.inf)
        m0 = jnp.max(mm, axis=1, keepdims=True)
        lse = jnp.log(jnp.sum(jnp.where(inc, jnp.exp(mm - m0), 0.0),
                              axis=1, keepdims=True)) + m0
        sel = jnp.sum(jnp.where(col == lab, lg, 0.0), axis=1, keepdims=True)
        return lse - sel

    v = v_ref[...]
    n1 = nll(lg1, l1_ref[...])
    n2 = nll(lg2, l2_ref[...]) * v
    denom = jnp.float32(p) + jnp.sum(v)
    o_ref[...] = jnp.full((1, 128), (jnp.sum(n1) + jnp.sum(n2)) / denom)


def _loss_ce(hc2_idx, hc2_bot, w_out_pad, lab_idx, lab_app, validf):
    p, h = hc2_idx.shape
    ncls = 10
    body = functools.partial(_loss_ce_body, ncls=ncls)
    return pl.pallas_call(
        body,
        in_specs=[pl.BlockSpec((p, h), lambda: (0, 0)),
                  pl.BlockSpec((p, h), lambda: (0, 0)),
                  pl.BlockSpec((h, 128), lambda: (0, 0)),
                  pl.BlockSpec((p, 1), lambda: (0, 0)),
                  pl.BlockSpec((p, 1), lambda: (0, 0)),
                  pl.BlockSpec((p, 1), lambda: (0, 0))],
        out_specs=pl.BlockSpec((1, 128), lambda: (0, 0)),
        out_shape=jax.ShapeDtypeStruct((1, 128), F32),
    )(hc2_idx, hc2_bot, w_out_pad, lab_idx, lab_app, validf)


def kernel(features, adj, labels, idx_train, W_enc0, W_enc1, de_weight,
           W_cls0, W_cls1, W_out):
    n0 = adj.shape[0]
    p = idx_train.shape[0]
    im_class_num = 3

    x1 = _mm(features, W_enc0)
    x2, rs_adj = _gcn(adj, x1, W_enc1, fuse_w=True)
    embed, _ = _gcn(adj, x2, W_enc1, fuse_w=False)

    lab_idx = labels[idx_train]
    c_largest = jnp.max(labels)
    ar = jnp.arange(p, dtype=jnp.int32)
    src1 = jnp.zeros((p,), jnp.int32)
    src2 = jnp.zeros((p,), jnp.int32)
    labv = jnp.zeros((p,), labels.dtype)
    valid = jnp.zeros((p,), jnp.bool_)
    offset = jnp.int32(0)
    for i in range(im_class_num):
        cls = (c_largest - i).astype(labels.dtype)
        match = lab_idx == cls
        pos = jnp.nonzero(match, size=p, fill_value=0)[0]
        count = jnp.sum(match).astype(jnp.int32)
        num = jnp.floor(count.astype(F32) * 1.0).astype(jnp.int32)
        vc = ar < num
        chosen = idx_train[pos]
        ce = embed[chosen]
        nbr = _nbr(ce, vc.astype(F32)[:, None])
        s2c = chosen[nbr[:, 0]]
        slot = jnp.where(vc, offset + ar, p + 1)
        src1 = src1.at[slot].set(chosen, mode="drop")
        src2 = src2.at[slot].set(s2c, mode="drop")
        labv = labv.at[slot].set(jnp.broadcast_to(cls, (p,)), mode="drop")
        valid = valid.at[slot].set(True, mode="drop")
        offset = offset + num
    validf = valid.astype(F32)[:, None]

    r, e_app = _strips(adj, embed, src1, src2, validf)
    embed2 = jnp.concatenate([embed, e_app], axis=0)
    y_de = _mm(embed2, de_weight)
    y0 = _mm(embed2, W_cls0)

    hc1_top, rs_new_top, sums = _main_top(adj, y_de[:n0], embed, y0[:n0],
                                          e_app, y0[n0:], r, rs_adj)
    hc1_bot, _ = _bottom(r, y_de[n0:], embed, y0[:n0])
    sz, sn, cnt = sums[0, 0], sums[0, 1], sums[0, 2]
    neg_w = cnt / (float(n0) ** 2 - cnt)
    loss_rec = neg_w * sz + sn

    hc1 = jnp.concatenate([hc1_top, hc1_bot], axis=0)
    z1 = _mm(hc1, W_cls1)
    hc2_idx = _cls2_top(adj[:p], z1[:n0], y_de[:p], e_app, z1[n0:],
                        r[:, :p], rs_new_top[:p])
    hc2_bot, _ = _bottom(r, y_de[n0:], embed, z1[:n0])

    w_out_pad = jnp.pad(W_out, ((0, 0), (0, 128 - W_out.shape[1])))
    ce_vec = _loss_ce(hc2_idx, hc2_bot, w_out_pad, lab_idx[:, None],
                      labv[:, None], validf)
    return loss_rec, ce_vec[0, 0]

# --- scband reference (transcript-rebuilt; emitter-appended) ---
"""Pipeline reference for scband-modeler-36146444763713 (READ-ONLY COPY).

The authoritative reference and input builder live on the scoring server;
editing this copy changes nothing except your own understanding.
"""

import jax, jax.numpy as jnp
import numpy as np

N = 4096
NFEAT = 256
NHID = 64
NCLASS = 10
AVG_DEG = 16
UP_SCALE = 1.0
IM_CLASS_NUM = 3


def setup_inputs(seed: int = 0):
    key = jax.random.key(seed)
    ks = jax.random.split(key, 12)
    features = jax.random.normal(ks[0], (N, NFEAT), dtype=jnp.float32)
    rng = np.random.RandomState(0)
    src = rng.randint(0, N, size=N * AVG_DEG // 2)
    dst = rng.randint(0, N, size=N * AVG_DEG // 2)
    A = np.zeros((N, N), dtype=np.float32)
    A[src, dst] = 1.0
    A[dst, src] = 1.0
    np.fill_diagonal(A, 0.0)
    adj = jnp.asarray(A)
    labels = jax.random.randint(ks[1], (N,), 0, NCLASS, dtype=jnp.int32)
    idx_train = jnp.arange(512, dtype=jnp.int32)
    W_enc0 = jax.random.normal(ks[2], (NFEAT, NHID), dtype=jnp.float32) / np.sqrt(NFEAT)
    W_enc1 = jax.random.normal(ks[3], (NHID, NHID), dtype=jnp.float32) / np.sqrt(NHID)
    de_weight = jax.random.normal(ks[4], (NHID, NHID), dtype=jnp.float32) / np.sqrt(NHID)
    W_cls0 = jax.random.normal(ks[5], (NHID, NHID), dtype=jnp.float32) / np.sqrt(NHID)
    W_cls1 = jax.random.normal(ks[6], (NHID, NHID), dtype=jnp.float32) / np.sqrt(NHID)
    W_out = jax.random.normal(ks[7], (NHID, NCLASS), dtype=jnp.float32) / np.sqrt(NHID)
    return {"features": features, "adj": adj, "labels": labels, "idx_train": idx_train,
            "W_enc0": W_enc0, "W_enc1": W_enc1, "de_weight": de_weight,
            "W_cls0": W_cls0, "W_cls1": W_cls1, "W_out": W_out}


def _row_normalize(A):
    rs = A.sum(1)
    inv = jnp.where(rs > 0, 1.0 / rs, 0.0)
    return A * inv[:, None]


def _recon_upsample(embed, labels_np, idx_np, adj, portion, im_class_num):
    c_largest = labels_np.max()
    N0 = adj.shape[0]
    cap = idx_np.shape[0]
    PAD = cap
    ar = jnp.arange(PAD, dtype=jnp.int32)
    embed_out = jnp.zeros((N0 + PAD, embed.shape[1]), dtype=embed.dtype)
    embed_out = embed_out.at[:N0].set(embed)
    lab_app = jnp.zeros((PAD,), dtype=labels_np.dtype)
    app_valid = jnp.zeros((PAD,), dtype=bool)
    new_adj = jnp.zeros((N0 + PAD, N0 + PAD), dtype=adj.dtype)
    new_adj = new_adj.at[:N0, :N0].set(adj)
    cur = jnp.asarray(N0, dtype=jnp.int32)
    for i in range(im_class_num):
        cls = c_largest - i
        match = labels_np[idx_np] == cls
        pos = jnp.nonzero(match, size=cap, fill_value=0)[0]
        count = jnp.sum(match).astype(jnp.int32)
        num = jnp.floor(count.astype(jnp.float32) * portion).astype(jnp.int32)
        valid = ar < num
        chosen = idx_np[pos]
        ce = embed[chosen, :]
        ce_sg = jax.lax.stop_gradient(ce)
        d = jnp.sqrt(jnp.sum((ce_sg[:, None, :] - ce_sg[None, :, :]) ** 2, axis=-1) + 1e-12)
        pair = valid[:, None] & valid[None, :]
        maxd = jnp.max(jnp.where(pair, d, -jnp.inf))
        maxd = jnp.where(num > 0, maxd, 0.0)
        d = d + jnp.eye(cap, dtype=d.dtype) * (maxd + 100.0)
        d = jnp.where(pair, d, jnp.inf)
        nbr = jnp.argmin(d, axis=-1)
        interp = 0.5
        new_e = ce + (ce[nbr, :] - ce) * interp
        dest = jnp.where(valid, cur + ar, N0 + PAD + 1)
        embed_out = embed_out.at[dest, :].set(new_e, mode="drop")
        lab_app = lab_app.at[dest - N0].set(
            jnp.broadcast_to(cls.astype(labels_np.dtype), (cap,)), mode="drop")
        app_valid = app_valid.at[dest - N0].set(
            jnp.ones((cap,), dtype=bool), mode="drop")
        rows = jnp.clip(adj[chosen, :] + adj[chosen[nbr], :], 0.0, 1.0)
        new_adj = new_adj.at[dest, :N0].set(rows, mode="drop")
        new_adj = new_adj.at[:N0, dest].set(rows.T, mode="drop")
        cur = cur + num
    return embed_out, lab_app, app_valid, jax.lax.stop_gradient(new_adj)


def _adj_mse_loss(rec, tgt):
    edge_num = jnp.sum(tgt != 0).astype(jnp.float32)
    total = float(tgt.shape[0]) ** 2
    neg_w = edge_num / (total - edge_num)
    w = jnp.where(tgt == 0, neg_w, 1.0)
    return jnp.sum(w * (rec - tgt) ** 2)


def _forward(features, adj, labels_np, idx_np, W_enc0, W_enc1, de_weight, W_cls0, W_cls1, W_out):
    N0 = adj.shape[0]
    A_norm = _row_normalize(adj + jnp.eye(N0, dtype=adj.dtype))
    h = jax.nn.relu(A_norm @ (features @ W_enc0))
    embed = jax.nn.relu(A_norm @ (h @ W_enc1))
    embed2, lab_app, app_valid, adj_up = _recon_upsample(embed, labels_np, idx_np, adj, UP_SCALE, IM_CLASS_NUM)
    generated_G = jax.nn.sigmoid(embed2 @ de_weight @ embed2.T)
    loss_rec = _adj_mse_loss(generated_G[:N0, :N0], adj)
    adj_new = jax.lax.stop_gradient(generated_G)
    adj_new = jnp.where(adj_new < 0.5, 0.0, 1.0)
    adj_new = adj_up * adj_new
    adj_new = adj_new.at[:N0, :N0].set(adj)
    adj_new = jnp.where(adj_new != 0, 1.0, 0.0)
    adj_new = _row_normalize(adj_new)
    hc = jax.nn.relu(adj_new @ (embed2 @ W_cls0))
    hc = jax.nn.relu(adj_new @ (hc @ W_cls1))
    logits = hc @ W_out
    sel_tr = logits[idx_np]
    lab_tr = labels_np[idx_np]
    lse_tr = jax.nn.logsumexp(sel_tr, axis=-1)
    nll_tr = lse_tr - jnp.take_along_axis(sel_tr, lab_tr[:, None].astype(jnp.int32), axis=1)[:, 0]
    sel_ap = logits[N0:]
    lse_ap = jax.nn.logsumexp(sel_ap, axis=-1)
    nll_ap = lse_ap - jnp.take_along_axis(sel_ap, lab_app[:, None].astype(jnp.int32), axis=1)[:, 0]
    nll_ap = jnp.where(app_valid, nll_ap, 0.0)
    nll = jnp.concatenate([nll_tr, nll_ap])
    denom = (idx_np.shape[0] + jnp.sum(app_valid)).astype(nll.dtype)
    loss_ce = jnp.sum(nll) / denom
    return loss_rec, loss_ce


def reference(features, adj, labels, idx_train, W_enc0, W_enc1, de_weight, W_cls0, W_cls1, W_out):
    return _forward(features, adj, labels, idx_train, W_enc0, W_enc1, de_weight, W_cls0, W_cls1, W_out)

if __name__ == "__main__":
    import jax
    _d = setup_inputs()
    print(jax.jit(kernel)(*tuple(_d.values())))

</pallas_src>

<mosaic_0001>
module attributes {stable_mosaic.version = 14 : i64} {
  func.func @_mm_body(%arg0: i32, %arg1: memref<512x256xf32, #tpu.memory_space<vmem>>, %arg2: memref<256x64xf32, #tpu.memory_space<vmem>>, %arg3: memref<512x64xf32, #tpu.memory_space<vmem>>) attributes {dimension_semantics = [#tpu.dimension_semantics<arbitrary>], iteration_bounds = array<i64: 8>, scalar_prefetch = 0 : i64, scratch_operands = 0 : i64, tpu.core_type = #tpu.core_type<tc>, window_params = [{transform_indices = @transform_0, window_bounds = array<i64: 512, 256>}, {pipeline_mode = #tpu.pipeline_mode<synchronous>, transform_indices = @transform_1, window_bounds = array<i64: 256, 64>}, {transform_indices = @transform_2, window_bounds = array<i64: 512, 64>}]} {
    %get3A = arith.constant 0 : index
    %get3A_0 = arith.constant 0 : index
    %get3A_1 = vector.load %arg1[%get3A, %get3A_0] : memref<512x256xf32, #tpu.memory_space<vmem>>, vector<512x256xf32>
    %get3A_2 = arith.constant 0 : index
    %get3A_3 = arith.constant 0 : index
    %get3A_4 = vector.load %arg2[%get3A_2, %get3A_3] : memref<256x64xf32, #tpu.memory_space<vmem>>, vector<256x64xf32>
    %dot_general3A = arith.constant dense<0.000000e+00> : vector<512x64xf32>
    %dot_general3A_5 = tpu.matmul %get3A_1, %get3A_4, %dot_general3A {dimension_numbers = #tpu.dot_dimension_numbers<[1], [0], [0], [1], [0, 0, 1, 1], [], []>, transpose_lhs_hint = false} : vector<512x256xf32>, vector<256x64xf32>, vector<512x64xf32> -> vector<512x64xf32>
    %swap3A = arith.constant 0 : index
    %swap3A_6 = arith.constant 0 : index
    %swap3A_7 = vector.load %arg3[%swap3A, %swap3A_6] : memref<512x64xf32, #tpu.memory_space<vmem>>, vector<512x64xf32>
    tpu.vector_store %arg3[%swap3A, %swap3A_6], %dot_general3A_5 {strides = array<i32>} : memref<512x64xf32, #tpu.memory_space<vmem>>, vector<512x64xf32>,
    return
  }
  func.func @transform_0(%arg0: i32) -> (i32, i32) {
    %c0_i32 = arith.constant 0 : i32
    %c0_i32_0 = arith.constant 0 : i32
    return %arg0, %c0_i32 : i32, i32
  }
  func.func @transform_1(%arg0: i32) -> (i32, i32) {
    %c0_i32 = arith.constant 0 : i32
    %c0_i32_0 = arith.constant 0 : i32
    %c0_i32_1 = arith.constant 0 : i32
    return %c0_i32, %c0_i32_0 : i32, i32
  }
  func.func @transform_2(%arg0: i32) -> (i32, i32) {
    %c0_i32 = arith.constant 0 : i32
    %c0_i32_0 = arith.constant 0 : i32
    return %arg0, %c0_i32 : i32, i32
  }
}

module attributes {stable_mosaic.version = 14 : i64} {
  func.func @_gcn_body(%arg0: i32, %arg1: i32, %arg2: memref<256x2048xf32, #tpu.memory_space<vmem>>, %arg3: memref<2048x64xf32, #tpu.memory_space<vmem>>, %arg4: memref<256x64xf32, #tpu.memory_space<vmem>>, %arg5: memref<64x64xf32, #tpu.memory_space<vmem>>, %arg6: memref<256x64xf32, #tpu.memory_space<vmem>>, %arg7: memref<256x1xf32, #tpu.memory_space<vmem>>, %arg8: memref<256x64xf32, #tpu.memory_space<vmem>>, %arg9: memref<256x1xf32, #tpu.memory_space<vmem>>) attributes {dimension_semantics = [#tpu.dimension_semantics<arbitrary>, #tpu.dimension_semantics<arbitrary>], iteration_bounds = array<i64: 16, 2>, scalar_prefetch = 0 : i64, scratch_operands = 2 : i64, tpu.core_type = #tpu.core_type<tc>, window_params = [{transform_indices = @transform_0, window_bounds = array<i64: 256, 2048>}, {transform_indices = @transform_1, window_bounds = array<i64: 2048, 64>}, {transform_indices = @transform_2, window_bounds = array<i64: 256, 64>}, {pipeline_mode = #tpu.pipeline_mode<synchronous>, transform_indices = @transform_3, window_bounds = array<i64: 64, 64>}, {transform_indices = @transform_4, window_bounds = array<i64: 256, 64>}, {transform_indices = @transform_5, window_bounds = array<i64: 256, 1>}]} {
    %eq3A = arith.constant 0 : i32
    %eq3A_0 = arith.cmpi eq, %arg1, %eq3A : i32
    %convert_element_type3A = arith.extui %eq3A_0 : i1 to i32
    %cond3A = arith.constant 0 : i32
    %cond3A_1 = arith.cmpi ne, %convert_element_type3A, %cond3A : i32
    scf.if %cond3A_1 {
      %broadcast_in_dim3A_26 = arith.constant 0.000000e+00 : f32
      %broadcast_in_dim3A_27 = vector.broadcast %broadcast_in_dim3A_26 : f32 to vector<256x64xf32>
      %swap3A_28 = arith.constant 0 : index
      %swap3A_29 = arith.constant 0 : index
      %swap3A_30 = vector.load %arg8[%swap3A_28, %swap3A_29] : memref<256x64xf32, #tpu.memory_space<vmem>>, vector<256x64xf32>
      tpu.vector_store %arg8[%swap3A_28, %swap3A_29], %broadcast_in_dim3A_27 {strides = array<i32>} : memref<256x64xf32, #tpu.memory_space<vmem>>, vector<256x64xf32>,
      %broadcast_in_dim3A_31 = arith.constant 0.000000e+00 : f32
      %broadcast_in_dim3A_32 = vector.broadcast %broadcast_in_dim3A_31 : f32 to vector<256x1xf32>
      %swap3A_33 = arith.constant 0 : index
      %swap3A_34 = arith.constant 0 : index
      %swap3A_35 = vector.load %arg9[%swap3A_33, %swap3A_34] : memref<256x1xf32, #tpu.memory_space<vmem>>, vector<256x1xf32>
      tpu.vector_store %arg9[%swap3A_33, %swap3A_34], %broadcast_in_dim3A_32 {strides = array<i32>} : memref<256x1xf32, #tpu.memory_space<vmem>>, vector<256x1xf32>,
    } else {
    }
    %get3A = arith.constant 0 : index
    %get3A_2 = arith.constant 0 : index
    %get3A_3 = vector.load %arg2[%get3A, %get3A_2] : memref<256x2048xf32, #tpu.memory_space<vmem>>, vector<256x2048xf32>
    %get3A_4 = arith.constant 0 : index
    %get3A_5 = arith.constant 0 : index
    %get3A_6 = vector.load %arg8[%get3A_4, %get3A_5] : memref<256x64xf32, #tpu.memory_space<vmem>>, vector<256x64xf32>
    %get3A_7 = arith.constant 0 : index
    %get3A_8 = arith.constant 0 : index
    %get3A_9 = vector.load %arg3[%get3A_7, %get3A_8] : memref<2048x64xf32, #tpu.memory_space<vmem>>, vector<2048x64xf32>
    %dot_general3A = arith.constant dense<0.000000e+00> : vector<256x64xf32>
    %dot_general3A_10 = tpu.matmul %get3A_3, %get3A_9, %dot_general3A {dimension_numbers = #tpu.dot_dimension_numbers<[1], [0], [0], [1], [0, 0, 1, 1], [], []>, transpose_lhs_hint = false} : vector<256x2048xf32>, vector<2048x64xf32>, vector<256x64xf32> -> vector<256x64xf32>
    %add3A = arith.addf %get3A_6, %dot_general3A_10 : vector<256x64xf32>
    %swap3A = arith.constant 0 : index
    %swap3A_11 = arith.constant 0 : index
    %swap3A_12 = vector.load %arg8[%swap3A, %swap3A_11] : memref<256x64xf32, #tpu.memory_space<vmem>>, vector<256x64xf32>
    tpu.vector_store %arg8[%swap3A, %swap3A_11], %add3A {strides = array<i32>} : memref<256x64xf32, #tpu.memory_space<vmem>>, vector<256x64xf32>,
    %get3A_13 = arith.constant 0 : index
    %get3A_14 = arith.constant 0 : index
    %get3A_15 = vector.load %arg9[%get3A_13, %get3A_14] : memref<256x1xf32, #tpu.memory_space<vmem>>, vector<256x1xf32>
    %reduce_sum3A = arith.constant dense<0.000000e+00> : vector<256xf32>
    %reduce_sum3A_16 = vector.multi_reduction <add>, %get3A_3, %reduce_sum3A [1] : vector<256x2048xf32> to vector<256xf32>
    %broadcast_in_dim3A = vector.shape_cast %reduce_sum3A_16 : vector<256xf32> to vector<256x1xf32>
    %add3A_17 = arith.addf %get3A_15, %broadcast_in_dim3A : vector<256x1xf32>
    %swap3A_18 = arith.constant 0 : index
    %swap3A_19 = arith.constant 0 : index
    %swap3A_20 = vector.load %arg9[%swap3A_18, %swap3A_19] : memref<256x1xf32, #tpu.memory_space<vmem>>, vector<256x1xf32>
    tpu.vector_store %arg9[%swap3A_18, %swap3A_19], %add3A_17 {strides = array<i32>} : memref<256x1xf32, #tpu.memory_space<vmem>>, vector<256x1xf32>,
    %eq3A_21 = arith.constant 1 : i32
    %eq3A_22 = arith.cmpi eq, %arg1, %eq3A_21 : i32
    %convert_element_type3A_23 = arith.extui %eq3A_22 : i1 to i32
    %cond3A_24 = arith.constant 0 : i32
    %cond3A_25 = arith.cmpi ne, %convert_element_type3A_23, %cond3A_24 : i32
    scf.if %cond3A_25 {
      %get3A_26 = arith.constant 0 : index
      %get3A_27 = arith.constant 0 : index
      %get3A_28 = vector.load %arg9[%get3A_26, %get3A_27] : memref<256x1xf32, #tpu.memory_space<vmem>>, vector<256x1xf32>
      %add3A_29 = arith.constant 1.000000e+00 : f32
      %add3A_30 = vector.broadcast %add3A_29 : f32 to vector<256x1xf32>
      %add3A_31 = arith.addf %get3A_28, %add3A_30 : vector<256x1xf32>
      %get3A_32 = arith.constant 0 : index
      %get3A_33 = arith.constant 0 : index
      %get3A_34 = vector.load %arg8[%get3A_32, %get3A_33] : memref<256x64xf32, #tpu.memory_space<vmem>>, vector<256x64xf32>
      %get3A_35 = arith.constant 0 : index
      %get3A_36 = arith.constant 0 : index
      %get3A_37 = vector.load %arg4[%get3A_35, %get3A_36] : memref<256x64xf32, #tpu.memory_space<vmem>>, vector<256x64xf32>
      %add3A_38 = arith.addf %get3A_34, %get3A_37 : vector<256x64xf32>
      %div3A = vector.broadcast %add3A_31 : vector<256x1xf32> to vector<256x64xf32>
      %div3A_39 = arith.divf %add3A_38, %div3A : vector<256x64xf32>
      %max3A = arith.constant 0.000000e+00 : f32
      %max3A_40 = vector.broadcast %max3A : f32 to vector<256x64xf32>
      %max3A_41 = arith.maximumf %div3A_39, %max3A_40 : vector<256x64xf32>
      %get3A_42 = arith.constant 0 : index
      %get3A_43 = arith.constant 0 : index
      %get3A_44 = vector.load %arg5[%get3A_42, %get3A_43] : memref<64x64xf32, #tpu.memory_space<vmem>>, vector<64x64xf32>
      %dot_general3A_45 = arith.constant dense<0.000000e+00> : vector<256x64xf32>
      %dot_general3A_46 = tpu.matmul %max3A_41, %get3A_44, %dot_general3A_45 {dimension_numbers = #tpu.dot_dimension_numbers<[1], [0], [0], [1], [0, 0, 1, 1], [], []>, transpose_lhs_hint = false} : vector<256x64xf32>, vector<64x64xf32>, vector<256x64xf32> -> vector<256x64xf32>
      %swap3A_47 = arith.constant 0 : index
      %swap3A_48 = arith.constant 0 : index
      %swap3A_49 = vector.load %arg6[%swap3A_47, %swap3A_48] : memref<256x64xf32, #tpu.memory_space<vmem>>, vector<256x64xf32>
      tpu.vector_store %arg6[%swap3A_47, %swap3A_48], %dot_general3A_46 {strides = array<i32>} : memref<256x64xf32, #tpu.memory_space<vmem>>, vector<256x64xf32>,
      %get3A_50 = arith.constant 0 : index
      %get3A_51 = arith.constant 0 : index
      %get3A_52 = vector.load %arg9[%get3A_50, %get3A_51] : memref<256x1xf32, #tpu.memory_space<vmem>>, vector<256x1xf32>
      %swap3A_53 = arith.constant 0 : index
      %swap3A_54 = arith.constant 0 : index
      %swap3A_55 = vector.load %arg7[%swap3A_53, %swap3A_54] : memref<256x1xf32, #tpu.memory_space<vmem>>, vector<256x1xf32>
      tpu.vector_store %arg7[%swap3A_53, %swap3A_54], %get3A_52 {strides = array<i32>} : memref<256x1xf32, #tpu.memory_space<vmem>>, vector<256x1xf32>,
    } else {
    }
    return
  }
  func.func @transform_0(%arg0: i32, %arg1: i32) -> (i32, i32) {
    %c0_i32 = arith.constant 0 : i32
    return %arg0, %arg1 : i32, i32
  }
  func.func @transform_1(%arg0: i32, %arg1: i32) -> (i32, i32) {
    %c0_i32 = arith.constant 0 : i32
    %c0_i32_0 = arith.constant 0 : i32
    return %arg1, %c0_i32 : i32, i32
  }
  func.func @transform_2(%arg0: i32, %arg1: i32) -> (i32, i32) {
    %c0_i32 = arith.constant 0 : i32
    %c0_i32_0 = arith.constant 0 : i32
    return %arg0, %c0_i32 : i32, i32
  }
  func.func @transform_3(%arg0: i32, %arg1: i32) -> (i32, i32) {
    %c0_i32 = arith.constant 0 : i32
    %c0_i32_0 = arith.constant 0 : i32
    %c0_i32_1 = arith.constant 0 : i32
    return %c0_i32, %c0_i32_0 : i32, i32
  }
  func.func @transform_4(%arg0: i32, %arg1: i32) -> (i32, i32) {
    %c0_i32 = arith.constant 0 : i32
    %c0_i32_0 = arith.constant 0 : i32
    return %arg0, %c0_i32 : i32, i32
  }
  func.func @transform_5(%arg0: i32, %arg1: i32) -> (i32, i32) {
    %c0_i32 = arith.constant 0 : i32
    %c0_i32_0 = arith.constant 0 : i32
    return %arg0, %c0_i32 : i32, i32
  }
}

module attributes {stable_mosaic.version = 14 : i64} {
  func.func @_gcn_body(%arg0: i32, %arg1: i32, %arg2: memref<256x2048xf32, #tpu.memory_space<vmem>>, %arg3: memref<2048x64xf32, #tpu.memory_space<vmem>>, %arg4: memref<256x64xf32, #tpu.memory_space<vmem>>, %arg5: memref<64x64xf32, #tpu.memory_space<vmem>>, %arg6: memref<256x64xf32, #tpu.memory_space<vmem>>, %arg7: memref<256x1xf32, #tpu.memory_space<vmem>>, %arg8: memref<256x64xf32, #tpu.memory_space<vmem>>, %arg9: memref<256x1xf32, #tpu.memory_space<vmem>>) attributes {dimension_semantics = [#tpu.dimension_semantics<arbitrary>, #tpu.dimension_semantics<arbitrary>], iteration_bounds = array<i64: 16, 2>, scalar_prefetch = 0 : i64, scratch_operands = 2 : i64, tpu.core_type = #tpu.core_type<tc>, window_params = [{transform_indices = @transform_0, window_bounds = array<i64: 256, 2048>}, {transform_indices = @transform_1, window_bounds = array<i64: 2048, 64>}, {transform_indices = @transform_2, window_bounds = array<i64: 256, 64>}, {pipeline_mode = #tpu.pipeline_mode<synchronous>, transform_indices = @transform_3, window_bounds = array<i64: 64, 64>}, {transform_indices = @transform_4, window_bounds = array<i64: 256, 64>}, {transform_indices = @transform_5, window_bounds = array<i64: 256, 1>}]} {
    %eq3A = arith.constant 0 : i32
    %eq3A_0 = arith.cmpi eq, %arg1, %eq3A : i32
    %convert_element_type3A = arith.extui %eq3A_0 : i1 to i32
    %cond3A = arith.constant 0 : i32
    %cond3A_1 = arith.cmpi ne, %convert_element_type3A, %cond3A : i32
    scf.if %cond3A_1 {
      %broadcast_in_dim3A_26 = arith.constant 0.000000e+00 : f32
      %broadcast_in_dim3A_27 = vector.broadcast %broadcast_in_dim3A_26 : f32 to vector<256x64xf32>
      %swap3A_28 = arith.constant 0 : index
      %swap3A_29 = arith.constant 0 : index
      %swap3A_30 = vector.load %arg8[%swap3A_28, %swap3A_29] : memref<256x64xf32, #tpu.memory_space<vmem>>, vector<256x64xf32>
      tpu.vector_store %arg8[%swap3A_28, %swap3A_29], %broadcast_in_dim3A_27 {strides = array<i32>} : memref<256x64xf32, #tpu.memory_space<vmem>>, vector<256x64xf32>,
      %broadcast_in_dim3A_31 = arith.constant 0.000000e+00 : f32
      %broadcast_in_dim3A_32 = vector.broadcast %broadcast_in_dim3A_31 : f32 to vector<256x1xf32>
      %swap3A_33 = arith.constant 0 : index
      %swap3A_34 = arith.constant 0 : index
      %swap3A_35 = vector.load %arg9[%swap3A_33, %swap3A_34] : memref<256x1xf32, #tpu.memory_space<vmem>>, vector<256x1xf32>
      tpu.vector_store %arg9[%swap3A_33, %swap3A_34], %broadcast_in_dim3A_32 {strides = array<i32>} : memref<256x1xf32, #tpu.memory_space<vmem>>, vector<256x1xf32>,
    } else {
    }
    %get3A = arith.constant 0 : index
    %get3A_2 = arith.constant 0 : index
    %get3A_3 = vector.load %arg2[%get3A, %get3A_2] : memref<256x2048xf32, #tpu.memory_space<vmem>>, vector<256x2048xf32>
    %get3A_4 = arith.constant 0 : index
    %get3A_5 = arith.constant 0 : index
    %get3A_6 = vector.load %arg8[%get3A_4, %get3A_5] : memref<256x64xf32, #tpu.memory_space<vmem>>, vector<256x64xf32>
    %get3A_7 = arith.constant 0 : index
    %get3A_8 = arith.constant 0 : index
    %get3A_9 = vector.load %arg3[%get3A_7, %get3A_8] : memref<2048x64xf32, #tpu.memory_space<vmem>>, vector<2048x64xf32>
    %dot_general3A = arith.constant dense<0.000000e+00> : vector<256x64xf32>
    %dot_general3A_10 = tpu.matmul %get3A_3, %get3A_9, %dot_general3A {dimension_numbers = #tpu.dot_dimension_numbers<[1], [0], [0], [1], [0, 0, 1, 1], [], []>, transpose_lhs_hint = false} : vector<256x2048xf32>, vector<2048x64xf32>, vector<256x64xf32> -> vector<256x64xf32>
    %add3A = arith.addf %get3A_6, %dot_general3A_10 : vector<256x64xf32>
    %swap3A = arith.constant 0 : index
    %swap3A_11 = arith.constant 0 : index
    %swap3A_12 = vector.load %arg8[%swap3A, %swap3A_11] : memref<256x64xf32, #tpu.memory_space<vmem>>, vector<256x64xf32>
    tpu.vector_store %arg8[%swap3A, %swap3A_11], %add3A {strides = array<i32>} : memref<256x64xf32, #tpu.memory_space<vmem>>, vector<256x64xf32>,
    %get3A_13 = arith.constant 0 : index
    %get3A_14 = arith.constant 0 : index
    %get3A_15 = vector.load %arg9[%get3A_13, %get3A_14] : memref<256x1xf32, #tpu.memory_space<vmem>>, vector<256x1xf32>
    %reduce_sum3A = arith.constant dense<0.000000e+00> : vector<256xf32>
    %reduce_sum3A_16 = vector.multi_reduction <add>, %get3A_3, %reduce_sum3A [1] : vector<256x2048xf32> to vector<256xf32>
    %broadcast_in_dim3A = vector.shape_cast %reduce_sum3A_16 : vector<256xf32> to vector<256x1xf32>
    %add3A_17 = arith.addf %get3A_15, %broadcast_in_dim3A : vector<256x1xf32>
    %swap3A_18 = arith.constant 0 : index
    %swap3A_19 = arith.constant 0 : index
    %swap3A_20 = vector.load %arg9[%swap3A_18, %swap3A_19] : memref<256x1xf32, #tpu.memory_space<vmem>>, vector<256x1xf32>
    tpu.vector_store %arg9[%swap3A_18, %swap3A_19], %add3A_17 {strides = array<i32>} : memref<256x1xf32, #tpu.memory_space<vmem>>, vector<256x1xf32>,
    %eq3A_21 = arith.constant 1 : i32
    %eq3A_22 = arith.cmpi eq, %arg1, %eq3A_21 : i32
    %convert_element_type3A_23 = arith.extui %eq3A_22 : i1 to i32
    %cond3A_24 = arith.constant 0 : i32
    %cond3A_25 = arith.cmpi ne, %convert_element_type3A_23, %cond3A_24 : i32
    scf.if %cond3A_25 {
      %get3A_26 = arith.constant 0 : index
      %get3A_27 = arith.constant 0 : index
      %get3A_28 = vector.load %arg9[%get3A_26, %get3A_27] : memref<256x1xf32, #tpu.memory_space<vmem>>, vector<256x1xf32>
      %add3A_29 = arith.constant 1.000000e+00 : f32
      %add3A_30 = vector.broadcast %add3A_29 : f32 to vector<256x1xf32>
      %add3A_31 = arith.addf %get3A_28, %add3A_30 : vector<256x1xf32>
      %get3A_32 = arith.constant 0 : index
      %get3A_33 = arith.constant 0 : index
      %get3A_34 = vector.load %arg8[%get3A_32, %get3A_33] : memref<256x64xf32, #tpu.memory_space<vmem>>, vector<256x64xf32>
      %get3A_35 = arith.constant 0 : index
      %get3A_36 = arith.constant 0 : index
      %get3A_37 = vector.load %arg4[%get3A_35, %get3A_36] : memref<256x64xf32, #tpu.memory_space<vmem>>, vector<256x64xf32>
      %add3A_38 = arith.addf %get3A_34, %get3A_37 : vector<256x64xf32>
      %div3A = vector.broadcast %add3A_31 : vector<256x1xf32> to vector<256x64xf32>
      %div3A_39 = arith.divf %add3A_38, %div3A : vector<256x64xf32>
      %max3A = arith.constant 0.000000e+00 : f32
      %max3A_40 = vector.broadcast %max3A : f32 to vector<256x64xf32>
      %max3A_41 = arith.maximumf %div3A_39, %max3A_40 : vector<256x64xf32>
      %swap3A_42 = arith.constant 0 : index
      %swap3A_43 = arith.constant 0 : index
      %swap3A_44 = vector.load %arg6[%swap3A_42, %swap3A_43] : memref<256x64xf32, #tpu.memory_space<vmem>>, vector<256x64xf32>
      tpu.vector_store %arg6[%swap3A_42, %swap3A_43], %max3A_41 {strides = array<i32>} : memref<256x64xf32, #tpu.memory_space<vmem>>, vector<256x64xf32>,
      %get3A_45 = arith.constant 0 : index
      %get3A_46 = arith.constant 0 : index
      %get3A_47 = vector.load %arg9[%get3A_45, %get3A_46] : memref<256x1xf32, #tpu.memory_space<vmem>>, vector<256x1xf32>
      %swap3A_48 = arith.constant 0 : index
      %swap3A_49 = arith.constant 0 : index
      %swap3A_50 = vector.load %arg7[%swap3A_48, %swap3A_49] : memref<256x1xf32, #tpu.memory_space<vmem>>, vector<256x1xf32>
      tpu.vector_store %arg7[%swap3A_48, %swap3A_49], %get3A_47 {strides = array<i32>} : memref<256x1xf32, #tpu.memory_space<vmem>>, vector<256x1xf32>,
    } else {
    }
    return
  }
  func.func @transform_0(%arg0: i32, %arg1: i32) -> (i32, i32) {
    %c0_i32 = arith.constant 0 : i32
    return %arg0, %arg1 : i32, i32
  }
  func.func @transform_1(%arg0: i32, %arg1: i32) -> (i32, i32) {
    %c0_i32 = arith.constant 0 : i32
    %c0_i32_0 = arith.constant 0 : i32
    return %arg1, %c0_i32 : i32, i32
  }
  func.func @transform_2(%arg0: i32, %arg1: i32) -> (i32, i32) {
    %c0_i32 = arith.constant 0 : i32
    %c0_i32_0 = arith.constant 0 : i32
    return %arg0, %c0_i32 : i32, i32
  }
  func.func @transform_3(%arg0: i32, %arg1: i32) -> (i32, i32) {
    %c0_i32 = arith.constant 0 : i32
    %c0_i32_0 = arith.constant 0 : i32
    %c0_i32_1 = arith.constant 0 : i32
    return %c0_i32, %c0_i32_0 : i32, i32
  }
  func.func @transform_4(%arg0: i32, %arg1: i32) -> (i32, i32) {
    %c0_i32 = arith.constant 0 : i32
    %c0_i32_0 = arith.constant 0 : i32
    return %arg0, %c0_i32 : i32, i32
  }
  func.func @transform_5(%arg0: i32, %arg1: i32) -> (i32, i32) {
    %c0_i32 = arith.constant 0 : i32
    %c0_i32_0 = arith.constant 0 : i32
    return %arg0, %c0_i32 : i32, i32
  }
}

module attributes {stable_mosaic.version = 14 : i64} {
  func.func @_nbr_body(%arg0: memref<512x64xf32, #tpu.memory_space<vmem>>, %arg1: memref<512x1xf32, #tpu.memory_space<vmem>>, %arg2: memref<512x1xi32, #tpu.memory_space<vmem>>) attributes {dimension_semantics = [], scalar_prefetch = 0 : i64, scratch_operands = 0 : i64, tpu.core_type = #tpu.core_type<tc>} {
    %get3A = arith.constant 0 : index
    %get3A_0 = arith.constant 0 : index
    %get3A_1 = vector.load %arg0[%get3A, %get3A_0] : memref<512x64xf32, #tpu.memory_space<vmem>>, vector<512x64xf32>
    %get3A_2 = arith.constant 0 : index
    %get3A_3 = arith.constant 0 : index
    %get3A_4 = vector.load %arg1[%get3A_2, %get3A_3] : memref<512x1xf32, #tpu.memory_space<vmem>>, vector<512x1xf32>
    %mul3A = arith.mulf %get3A_1, %get3A_1 : vector<512x64xf32>
    %reduce_sum3A = arith.constant dense<0.000000e+00> : vector<512xf32>
    %reduce_sum3A_5 = vector.multi_reduction <add>, %mul3A, %reduce_sum3A [1] : vector<512x64xf32> to vector<512xf32>
    %broadcast_in_dim3A = vector.shape_cast %reduce_sum3A_5 : vector<512xf32> to vector<512x1xf32>
    %dot_general3A = arith.constant dense<0.000000e+00> : vector<512x512xf32>
    %dot_general3A_6 = tpu.matmul %get3A_1, %get3A_1, %dot_general3A {dimension_numbers = #tpu.dot_dimension_numbers<[1], [1], [0], [0], [0, 0, 1, 0], [], []>, transpose_lhs_hint = false} : vector<512x64xf32>, vector<512x64xf32>, vector<512x512xf32> -> vector<512x512xf32>
    %transpose3A = tpu.transpose %broadcast_in_dim3A, [1, 0] : vector<512x1xf32> -> vector<1x512xf32>
    %add3A = vector.broadcast %broadcast_in_dim3A : vector<512x1xf32> to vector<512x512xf32>
    %add3A_7 = vector.broadcast %transpose3A : vector<1x512xf32> to vector<512x512xf32>
    %add3A_8 = arith.addf %add3A, %add3A_7 : vector<512x512xf32>
    %mul3A_9 = arith.constant 2.000000e+00 : f32
    %mul3A_10 = vector.broadcast %mul3A_9 : f32 to vector<512x512xf32>
    %mul3A_11 = arith.mulf %mul3A_10, %dot_general3A_6 : vector<512x512xf32>
    %sub3A = arith.subf %add3A_8, %mul3A_11 : vector<512x512xf32>
    %max3A = arith.constant 0.000000e+00 : f32
    %max3A_12 = vector.broadcast %max3A : f32 to vector<512x512xf32>
    %max3A_13 = arith.maximumf %sub3A, %max3A_12 : vector<512x512xf32>
    %add3A_14 = arith.constant 9.99999996E-13 : f32
    %add3A_15 = vector.broadcast %add3A_14 : f32 to vector<512x512xf32>
    %add3A_16 = arith.addf %max3A_13, %add3A_15 : vector<512x512xf32>
    %sqrt3A = math.sqrt %add3A_16 : vector<512x512xf32>
    %gt3A = arith.constant 5.000000e-01 : f32
    %gt3A_17 = vector.broadcast %gt3A : f32 to vector<512x1xf32>
    %gt3A_18 = arith.cmpf ogt, %get3A_4, %gt3A_17 : vector<512x1xf32>
    %transpose3A_19 = tpu.transpose %get3A_4, [1, 0] : vector<512x1xf32> -> vector<1x512xf32>
    %gt3A_20 = arith.constant 5.000000e-01 : f32
    %gt3A_21 = vector.broadcast %gt3A_20 : f32 to vector<1x512xf32>
    %gt3A_22 = arith.cmpf ogt, %transpose3A_19, %gt3A_21 : vector<1x512xf32>
    %and3A = vector.broadcast %gt3A_18 : vector<512x1xi1> to vector<512x512xi1>
    %and3A_23 = vector.broadcast %gt3A_22 : vector<1x512xi1> to vector<512x512xi1>
    %and3A_24 = arith.andi %and3A, %and3A_23 : vector<512x512xi1>
    %reduce_sum3A_25 = vector.shape_cast %get3A_4 : vector<512x1xf32> to vector<1x512x1xf32>
    %reduce_sum3A_26 = arith.constant dense<0.000000e+00> : vector<1xf32>
    %reduce_sum3A_27 = vector.multi_reduction <add>, %reduce_sum3A_25, %reduce_sum3A_26 [1, 2] : vector<1x512x1xf32> to vector<1xf32>
    %reduce_sum3A_28 = vector.shape_cast %reduce_sum3A_27 : vector<1xf32> to vector<1x1x1xf32>
    %reduce_sum3A_29 = vector.extract %reduce_sum3A_28[0, 0, 0] : f32 from vector<1x1x1xf32>
    %jit3A = arith.constant 0xFF800000 : f32
    %broadcast_in_dim3A_30 = vector.broadcast %jit3A : f32 to vector<512x512xf32>
    %select_n3A = arith.select %and3A_24, %sqrt3A, %broadcast_in_dim3A_30 : vector<512x512xi1>, vector<512x512xf32>
    %reduce_max3A = vector.shape_cast %select_n3A : vector<512x512xf32> to vector<1x512x512xf32>
    %reduce_max3A_31 = arith.constant dense<0xFF800000> : vector<1xf32>
    %reduce_max3A_32 = vector.multi_reduction <maximumf>, %reduce_max3A, %reduce_max3A_31 [1, 2] : vector<1x512x512xf32> to vector<1xf32>
    %reduce_max3A_33 = vector.shape_cast %reduce_max3A_32 : vector<1xf32> to vector<1x1x1xf32>
    %reduce_max3A_34 = vector.extract %reduce_max3A_33[0, 0, 0] : f32 from vector<1x1x1xf32>
    %gt3A_35 = arith.constant 5.000000e-01 : f32
    %gt3A_36 = arith.cmpf ogt, %reduce_sum3A_29, %gt3A_35 : f32
    %jit3A_37 = arith.constant 0.000000e+00 : f32
    %select_n3A_38 = arith.select %gt3A_36, %reduce_max3A_34, %jit3A_37 : f32
    %iota3A = tpu.iota {dimensions = array<i32: 0>} : vector<512x512xi32>
    %iota3A_39 = tpu.iota {dimensions = array<i32: 1>} : vector<512x512xi32>
    %eq3A = arith.cmpi eq, %iota3A, %iota3A_39 : vector<512x512xi32>
    %add3A_40 = arith.constant 1.000000e+02 : f32
    %add3A_41 = arith.addf %select_n3A_38, %add3A_40 : f32
    %jit3A_42 = arith.constant 0.000000e+00 : f32
    %broadcast_in_dim3A_43 = vector.broadcast %add3A_41 : f32 to vector<512x512xf32>
    %broadcast_in_dim3A_44 = vector.broadcast %jit3A_42 : f32 to vector<512x512xf32>
    %select_n3A_45 = arith.select %eq3A, %broadcast_in_dim3A_43, %broadcast_in_dim3A_44 : vector<512x512xi1>, vector<512x512xf32>
    %add3A_46 = arith.addf %sqrt3A, %select_n3A_45 : vector<512x512xf32>
    %jit3A_47 = arith.constant 0x7F800000 : f32
    %broadcast_in_dim3A_48 = vector.broadcast %jit3A_47 : f32 to vector<512x512xf32>
    %select_n3A_49 = arith.select %and3A_24, %add3A_46, %broadcast_in_dim3A_48 : vector<512x512xi1>, vector<512x512xf32>
    %reduce_min3A = arith.constant dense<0x7F800000> : vector<512xf32>
    %reduce_min3A_50 = vector.multi_reduction <minimumf>, %select_n3A_49, %reduce_min3A [1] : vector<512x512xf32> to vector<512xf32>
    %broadcast_in_dim3A_51 = vector.shape_cast %reduce_min3A_50 : vector<512xf32> to vector<512x1xf32>
    %iota3A_52 = tpu.iota {dimensions = array<i32: 1>} : vector<512x512xi32>
    %eq3A_53 = vector.broadcast %broadcast_in_dim3A_51 : vector<512x1xf32> to vector<512x512xf32>
    %eq3A_54 = arith.cmpf oeq, %select_n3A_49, %eq3A_53 : vector<512x512xf32>
    %jit3A_55 = arith.constant 512 : i32
    %broadcast_in_dim3A_56 = vector.broadcast %jit3A_55 : i32 to vector<512x512xi32>
    %select_n3A_57 = arith.select %eq3A_54, %iota3A_52, %broadcast_in_dim3A_56 : vector<512x512xi1>, vector<512x512xi32>
    %reduce_min3A_58 = arith.constant dense<2147483647> : vector<512xi32>
    %reduce_min3A_59 = vector.multi_reduction <minsi>, %select_n3A_57, %reduce_min3A_58 [1] : vector<512x512xi32> to vector<512xi32>
    %broadcast_in_dim3A_60 = vector.shape_cast %reduce_min3A_59 : vector<512xi32> to vector<512x1xi32>
    %swap3A = arith.constant 0 : index
    %swap3A_61 = arith.constant 0 : index
    %swap3A_62 = vector.load %arg2[%swap3A, %swap3A_61] : memref<512x1xi32, #tpu.memory_space<vmem>>, vector<512x1xi32>
    tpu.vector_store %arg2[%swap3A, %swap3A_61], %broadcast_in_dim3A_60 {strides = array<i32>} : memref<512x1xi32, #tpu.memory_space<vmem>>, vector<512x1xi32>,
    return
  }
}

module attributes {stable_mosaic.version = 14 : i64} {
  func.func @_strip_body(%arg0: i32, %arg1: i32, %arg2: memref<512x1xi32, #tpu.memory_space<vmem>>, %arg3: memref<512x1xi32, #tpu.memory_space<vmem>>, %arg4: memref<512x1xf32, #tpu.memory_space<vmem>>, %arg5: memref<2048x1024xf32, #tpu.memory_space<vmem>>, %arg6: memref<2048x64xf32, #tpu.memory_space<vmem>>, %arg7: memref<512x1024xf32, #tpu.memory_space<vmem>>, %arg8: memref<512x64xf32, #tpu.memory_space<vmem>>, %arg9: memref<512x1024xf32, #tpu.memory_space<vmem>>, %arg10: memref<512x64xf32, #tpu.memory_space<vmem>>) attributes {dimension_semantics = [#tpu.dimension_semantics<arbitrary>, #tpu.dimension_semantics<arbitrary>], iteration_bounds = array<i64: 4, 2>, scalar_prefetch = 0 : i64, scratch_operands = 2 : i64, tpu.core_type = #tpu.core_type<tc>, window_params = [{pipeline_mode = #tpu.pipeline_mode<synchronous>, transform_indices = @transform_0, window_bounds = array<i64: 512, 1>}, {pipeline_mode = #tpu.pipeline_mode<synchronous>, transform_indices = @transform_1, window_bounds = array<i64: 512, 1>}, {pipeline_mode = #tpu.pipeline_mode<synchronous>, transform_indices = @transform_2, window_bounds = array<i64: 512, 1>}, {transform_indices = @transform_3, window_bounds = array<i64: 2048, 1024>}, {transform_indices = @transform_4, window_bounds = array<i64: 2048, 64>}, {transform_indices = @transform_5, window_bounds = array<i64: 512, 1024>}, {pipeline_mode = #tpu.pipeline_mode<synchronous>, transform_indices = @transform_6, window_bounds = array<i64: 512, 64>}]} {
    %eq3A = arith.constant 0 : i32
    %eq3A_0 = arith.cmpi eq, %arg1, %eq3A : i32
    %convert_element_type3A = arith.extui %eq3A_0 : i1 to i32
    %cond3A = arith.constant 0 : i32
    %cond3A_1 = arith.cmpi ne, %convert_element_type3A, %cond3A : i32
    scf.if %cond3A_1 {
      %broadcast_in_dim3A = arith.constant 0.000000e+00 : f32
      %broadcast_in_dim3A_43 = vector.broadcast %broadcast_in_dim3A : f32 to vector<512x1024xf32>
      %swap3A_44 = arith.constant 0 : index
      %swap3A_45 = arith.constant 0 : index
      %swap3A_46 = vector.load %arg9[%swap3A_44, %swap3A_45] : memref<512x1024xf32, #tpu.memory_space<vmem>>, vector<512x1024xf32>
      tpu.vector_store %arg9[%swap3A_44, %swap3A_45], %broadcast_in_dim3A_43 {strides = array<i32>} : memref<512x1024xf32, #tpu.memory_space<vmem>>, vector<512x1024xf32>,
    } else {
    }
    %iota3A = tpu.iota {dimensions = array<i32: 1>} : vector<512x2048xi32>
    %mul3A = arith.constant 2048 : i32
    %mul3A_2 = arith.muli %arg1, %mul3A : i32
    %add3A = vector.broadcast %mul3A_2 : i32 to vector<512x2048xi32>
    %add3A_3 = arith.addi %iota3A, %add3A : vector<512x2048xi32>
    %get3A = arith.constant 0 : index
    %get3A_4 = arith.constant 0 : index
    %get3A_5 = vector.load %arg2[%get3A, %get3A_4] : memref<512x1xi32, #tpu.memory_space<vmem>>, vector<512x1xi32>
    %eq3A_6 = vector.broadcast %get3A_5 : vector<512x1xi32> to vector<512x2048xi32>
    %eq3A_7 = arith.cmpi eq, %add3A_3, %eq3A_6 : vector<512x2048xi32>
    %convert_element_type3A_8 = arith.extui %eq3A_7 : vector<512x2048xi1> to vector<512x2048xi32>
    %convert_element_type3A_9 = arith.sitofp %convert_element_type3A_8 : vector<512x2048xi32> to vector<512x2048xf32>
    %get3A_10 = arith.constant 0 : index
    %get3A_11 = arith.constant 0 : index
    %get3A_12 = vector.load %arg3[%get3A_10, %get3A_11] : memref<512x1xi32, #tpu.memory_space<vmem>>, vector<512x1xi32>
    %eq3A_13 = vector.broadcast %get3A_12 : vector<512x1xi32> to vector<512x2048xi32>
    %eq3A_14 = arith.cmpi eq, %add3A_3, %eq3A_13 : vector<512x2048xi32>
    %convert_element_type3A_15 = arith.extui %eq3A_14 : vector<512x2048xi1> to vector<512x2048xi32>
    %convert_element_type3A_16 = arith.sitofp %convert_element_type3A_15 : vector<512x2048xi32> to vector<512x2048xf32>
    %add3A_17 = arith.addf %convert_element_type3A_9, %convert_element_type3A_16 : vector<512x2048xf32>
    %get3A_18 = arith.constant 0 : index
    %get3A_19 = arith.constant 0 : index
    %get3A_20 = vector.load %arg4[%get3A_18, %get3A_19] : memref<512x1xf32, #tpu.memory_space<vmem>>, vector<512x1xf32>
    %mul3A_21 = vector.broadcast %get3A_20 : vector<512x1xf32> to vector<512x2048xf32>
    %mul3A_22 = arith.mulf %add3A_17, %mul3A_21 : vector<512x2048xf32>
    %get3A_23 = arith.constant 0 : index
    %get3A_24 = arith.constant 0 : index
    %get3A_25 = vector.load %arg9[%get3A_23, %get3A_24] : memref<512x1024xf32, #tpu.memory_space<vmem>>, vector<512x1024xf32>
    %get3A_26 = arith.constant 0 : index
    %get3A_27 = arith.constant 0 : index
    %get3A_28 = vector.load %arg5[%get3A_26, %get3A_27] : memref<2048x1024xf32, #tpu.memory_space<vmem>>, vector<2048x1024xf32>
    %dot_general3A = arith.constant dense<0.000000e+00> : vector<512x1024xf32>
    %dot_general3A_29 = tpu.matmul %mul3A_22, %get3A_28, %dot_general3A {dimension_numbers = #tpu.dot_dimension_numbers<[1], [0], [0], [1], [0, 0, 1, 1], [], []>, transpose_lhs_hint = false} : vector<512x2048xf32>, vector<2048x1024xf32>, vector<512x1024xf32> -> vector<512x1024xf32>
    %add3A_30 = arith.addf %get3A_25, %dot_general3A_29 : vector<512x1024xf32>
    %swap3A = arith.constant 0 : index
    %swap3A_31 = arith.constant 0 : index
    %swap3A_32 = vector.load %arg9[%swap3A, %swap3A_31] : memref<512x1024xf32, #tpu.memory_space<vmem>>, vector<512x1024xf32>
    tpu.vector_store %arg9[%swap3A, %swap3A_31], %add3A_30 {strides = array<i32>} : memref<512x1024xf32, #tpu.memory_space<vmem>>, vector<512x1024xf32>,
    %eq3A_33 = arith.constant 0 : i32
    %eq3A_34 = arith.cmpi eq, %arg0, %eq3A_33 : i32
    %convert_element_type3A_35 = arith.extui %eq3A_34 : i1 to i32
    %cond3A_36 = arith.constant 0 : i32
    %cond3A_37 = arith.cmpi ne, %convert_element_type3A_35, %cond3A_36 : i32
    scf.if %cond3A_37 {
      %eq3A_43 = arith.constant 0 : i32
      %eq3A_44 = arith.cmpi eq, %arg1, %eq3A_43 : i32
      %convert_element_type3A_45 = arith.extui %eq3A_44 : i1 to i32
      %cond3A_46 = arith.constant 0 : i32
      %cond3A_47 = arith.cmpi ne, %convert_element_type3A_45, %cond3A_46 : i32
      scf.if %cond3A_47 {
        %broadcast_in_dim3A = arith.constant 0.000000e+00 : f32
        %broadcast_in_dim3A_65 = vector.broadcast %broadcast_in_dim3A : f32 to vector<512x64xf32>
        %swap3A_66 = arith.constant 0 : index
        %swap3A_67 = arith.constant 0 : index
        %swap3A_68 = vector.load %arg10[%swap3A_66, %swap3A_67] : memref<512x64xf32, #tpu.memory_space<vmem>>, vector<512x64xf32>
        tpu.vector_store %arg10[%swap3A_66, %swap3A_67], %broadcast_in_dim3A_65 {strides = array<i32>} : memref<512x64xf32, #tpu.memory_space<vmem>>, vector<512x64xf32>,
      } else {
      }
      %get3A_48 = arith.constant 0 : index
      %get3A_49 = arith.constant 0 : index
      %get3A_50 = vector.load %arg10[%get3A_48, %get3A_49] : memref<512x64xf32, #tpu.memory_space<vmem>>, vector<512x64xf32>
      %get3A_51 = arith.constant 0 : index
      %get3A_52 = arith.constant 0 : index
      %get3A_53 = vector.load %arg6[%get3A_51, %get3A_52] : memref<2048x64xf32, #tpu.memory_space<vmem>>, vector<2048x64xf32>
      %dot_general3A_54 = arith.constant dense<0.000000e+00> : vector<512x64xf32>
      %dot_general3A_55 = tpu.matmul %mul3A_22, %get3A_53, %dot_general3A_54 {dimension_numbers = #tpu.dot_dimension_numbers<[1], [0], [0], [1], [0, 0, 1, 1], [], []>, transpose_lhs_hint = false} : vector<512x2048xf32>, vector<2048x64xf32>, vector<512x64xf32> -> vector<512x64xf32>
      %add3A_56 = arith.addf %get3A_50, %dot_general3A_55 : vector<512x64xf32>
      %swap3A_57 = arith.constant 0 : index
      %swap3A_58 = arith.constant 0 : index
      %swap3A_59 = vector.load %arg10[%swap3A_57, %swap3A_58] : memref<512x64xf32, #tpu.memory_space<vmem>>, vector<512x64xf32>
      tpu.vector_store %arg10[%swap3A_57, %swap3A_58], %add3A_56 {strides = array<i32>} : memref<512x64xf32, #tpu.memory_space<vmem>>, vector<512x64xf32>,
      %eq3A_60 = arith.constant 1 : i32
      %eq3A_61 = arith.cmpi eq, %arg1, %eq3A_60 : i32
      %convert_element_type3A_62 = arith.extui %eq3A_61 : i1 to i32
      %cond3A_63 = arith.constant 0 : i32
      %cond3A_64 = arith.cmpi ne, %convert_element_type3A_62, %cond3A_63 : i32
      scf.if %cond3A_64 {
        %get3A_65 = arith.constant 0 : index
        %get3A_66 = arith.constant 0 : index
        %get3A_67 = vector.load %arg10[%get3A_65, %get3A_66] : memref<512x64xf32, #tpu.memory_space<vmem>>, vector<512x64xf32>
        %mul3A_68 = arith.constant 5.000000e-01 : f32
        %mul3A_69 = vector.broadcast %mul3A_68 : f32 to vector<512x64xf32>
        %mul3A_70 = arith.mulf %get3A_67, %mul3A_69 : vector<512x64xf32>
        %swap3A_71 = arith.constant 0 : index
        %swap3A_72 = arith.constant 0 : index
        %swap3A_73 = vector.load %arg8[%swap3A_71, %swap3A_72] : memref<512x64xf32, #tpu.memory_space<vmem>>, vector<512x64xf32>
        tpu.vector_store %arg8[%swap3A_71, %swap3A_72], %mul3A_70 {strides = array<i32>} : memref<512x64xf32, #tpu.memory_space<vmem>>, vector<512x64xf32>,
      } else {
      }
    } else {
    }
    %eq3A_38 = arith.constant 1 : i32
    %eq3A_39 = arith.cmpi eq, %arg1, %eq3A_38 : i32
    %convert_element_type3A_40 = arith.extui %eq3A_39 : i1 to i32
    %cond3A_41 = arith.constant 0 : i32
    %cond3A_42 = arith.cmpi ne, %convert_element_type3A_40, %cond3A_41 : i32
    scf.if %cond3A_42 {
      %get3A_43 = arith.constant 0 : index
      %get3A_44 = arith.constant 0 : index
      %get3A_45 = vector.load %arg9[%get3A_43, %get3A_44] : memref<512x1024xf32, #tpu.memory_space<vmem>>, vector<512x1024xf32>
      %min3A = arith.constant 1.000000e+00 : f32
      %min3A_46 = vector.broadcast %min3A : f32 to vector<512x1024xf32>
      %min3A_47 = arith.minimumf %get3A_45, %min3A_46 : vector<512x1024xf32>
      %swap3A_48 = arith.constant 0 : index
      %swap3A_49 = arith.constant 0 : index
      %swap3A_50 = vector.load %arg7[%swap3A_48, %swap3A_49] : memref<512x1024xf32, #tpu.memory_space<vmem>>, vector<512x1024xf32>
      tpu.vector_store %arg7[%swap3A_48, %swap3A_49], %min3A_47 {strides = array<i32>} : memref<512x1024xf32, #tpu.memory_space<vmem>>, vector<512x1024xf32>,
    } else {
    }
    return
  }
  func.func @transform_0(%arg0: i32, %arg1: i32) -> (i32, i32) {
    %c0_i32 = arith.constant 0 : i32
    %c0_i32_0 = arith.constant 0 : i32
    %c0_i32_1 = arith.constant 0 : i32
    return %c0_i32, %c0_i32_0 : i32, i32
  }
  func.func @transform_1(%arg0: i32, %arg1: i32) -> (i32, i32) {
    %c0_i32 = arith.constant 0 : i32
    %c0_i32_0 = arith.constant 0 : i32
    %c0_i32_1 = arith.constant 0 : i32
    return %c0_i32, %c0_i32_0 : i32, i32
  }
  func.func @transform_2(%arg0: i32, %arg1: i32) -> (i32, i32) {
    %c0_i32 = arith.constant 0 : i32
    %c0_i32_0 = arith.constant 0 : i32
    %c0_i32_1 = arith.constant 0 : i32
    return %c0_i32, %c0_i32_0 : i32, i32
  }
  func.func @transform_3(%arg0: i32, %arg1: i32) -> (i32, i32) {
    %c0_i32 = arith.constant 0 : i32
    return %arg1, %arg0 : i32, i32
  }
  func.func @transform_4(%arg0: i32, %arg1: i32) -> (i32, i32) {
    %c0_i32 = arith.constant 0 : i32
    %c0_i32_0 = arith.constant 0 : i32
    return %arg1, %c0_i32 : i32, i32
  }
  func.func @transform_5(%arg0: i32, %arg1: i32) -> (i32, i32) {
    %c0_i32 = arith.constant 0 : i32
    %c0_i32_0 = arith.constant 0 : i32
    return %c0_i32, %arg0 : i32, i32
  }
  func.func @transform_6(%arg0: i32, %arg1: i32) -> (i32, i32) {
    %c0_i32 = arith.constant 0 : i32
    %c0_i32_0 = arith.constant 0 : i32
    %c0_i32_1 = arith.constant 0 : i32
    return %c0_i32, %c0_i32_0 : i32, i32
  }
}

module attributes {stable_mosaic.version = 14 : i64} {
  func.func @_mm_body(%arg0: i32, %arg1: memref<512x64xf32, #tpu.memory_space<vmem>>, %arg2: memref<64x64xf32, #tpu.memory_space<vmem>>, %arg3: memref<512x64xf32, #tpu.memory_space<vmem>>) attributes {dimension_semantics = [#tpu.dimension_semantics<arbitrary>], iteration_bounds = array<i64: 9>, scalar_prefetch = 0 : i64, scratch_operands = 0 : i64, tpu.core_type = #tpu.core_type<tc>, window_params = [{transform_indices = @transform_0, window_bounds = array<i64: 512, 64>}, {pipeline_mode = #tpu.pipeline_mode<synchronous>, transform_indices = @transform_1, window_bounds = array<i64: 64, 64>}, {transform_indices = @transform_2, window_bounds = array<i64: 512, 64>}]} {
    %get3A = arith.constant 0 : index
    %get3A_0 = arith.constant 0 : index
    %get3A_1 = vector.load %arg1[%get3A, %get3A_0] : memref<512x64xf32, #tpu.memory_space<vmem>>, vector<512x64xf32>
    %get3A_2 = arith.constant 0 : index
    %get3A_3 = arith.constant 0 : index
    %get3A_4 = vector.load %arg2[%get3A_2, %get3A_3] : memref<64x64xf32, #tpu.memory_space<vmem>>, vector<64x64xf32>
    %dot_general3A = arith.constant dense<0.000000e+00> : vector<512x64xf32>
    %dot_general3A_5 = tpu.matmul %get3A_1, %get3A_4, %dot_general3A {dimension_numbers = #tpu.dot_dimension_numbers<[1], [0], [0], [1], [0, 0, 1, 1], [], []>, transpose_lhs_hint = false} : vector<512x64xf32>, vector<64x64xf32>, vector<512x64xf32> -> vector<512x64xf32>
    %swap3A = arith.constant 0 : index
    %swap3A_6 = arith.constant 0 : index
    %swap3A_7 = vector.load %arg3[%swap3A, %swap3A_6] : memref<512x64xf32, #tpu.memory_space<vmem>>, vector<512x64xf32>
    tpu.vector_store %arg3[%swap3A, %swap3A_6], %dot_general3A_5 {strides = array<i32>} : memref<512x64xf32, #tpu.memory_space<vmem>>, vector<512x64xf32>,
    return
  }
  func.func @transform_0(%arg0: i32) -> (i32, i32) {
    %c0_i32 = arith.constant 0 : i32
    %c0_i32_0 = arith.constant 0 : i32
    return %arg0, %c0_i32 : i32, i32
  }
  func.func @transform_1(%arg0: i32) -> (i32, i32) {
    %c0_i32 = arith.constant 0 : i32
    %c0_i32_0 = arith.constant 0 : i32
    %c0_i32_1 = arith.constant 0 : i32
    return %c0_i32, %c0_i32_0 : i32, i32
  }
  func.func @transform_2(%arg0: i32) -> (i32, i32) {
    %c0_i32 = arith.constant 0 : i32
    %c0_i32_0 = arith.constant 0 : i32
    return %arg0, %c0_i32 : i32, i32
  }
}

module attributes {stable_mosaic.version = 14 : i64} {
  func.func @_bottom_body(%arg0: i32, %arg1: memref<512x2048xf32, #tpu.memory_space<vmem>>, %arg2: memref<512x64xf32, #tpu.memory_space<vmem>>, %arg3: memref<2048x64xf32, #tpu.memory_space<vmem>>, %arg4: memref<2048x64xf32, #tpu.memory_space<vmem>>, %arg5: memref<512x64xf32, #tpu.memory_space<vmem>>, %arg6: memref<512x1xf32, #tpu.memory_space<vmem>>, %arg7: memref<512x64xf32, #tpu.memory_space<vmem>>, %arg8: memref<512x1xf32, #tpu.memory_space<vmem>>) attributes {dimension_semantics = [#tpu.dimension_semantics<arbitrary>], iteration_bounds = array<i64: 2>, scalar_prefetch = 0 : i64, scratch_operands = 2 : i64, tpu.core_type = #tpu.core_type<tc>, window_params = [{transform_indices = @transform_0, window_bounds = array<i64: 512, 2048>}, {pipeline_mode = #tpu.pipeline_mode<synchronous>, transform_indices = @transform_1, window_bounds = array<i64: 512, 64>}, {transform_indices = @transform_2, window_bounds = array<i64: 2048, 64>}, {transform_indices = @transform_3, window_bounds = array<i64: 2048, 64>}, {pipeline_mode = #tpu.pipeline_mode<synchronous>, transform_indices = @transform_4, window_bounds = array<i64: 512, 64>}, {pipeline_mode = #tpu.pipeline_mode<synchronous>, transform_indices = @transform_5, window_bounds = array<i64: 512, 1>}]} {
    %eq3A = arith.constant 0 : i32
    %eq3A_0 = arith.cmpi eq, %arg0, %eq3A : i32
    %convert_element_type3A = arith.extui %eq3A_0 : i1 to i32
    %cond3A = arith.constant 0 : i32
    %cond3A_1 = arith.cmpi ne, %convert_element_type3A, %cond3A : i32
    scf.if %cond3A_1 {
      %broadcast_in_dim3A_38 = arith.constant 0.000000e+00 : f32
      %broadcast_in_dim3A_39 = vector.broadcast %broadcast_in_dim3A_38 : f32 to vector<512x64xf32>
      %swap3A_40 = arith.constant 0 : index
      %swap3A_41 = arith.constant 0 : index
      %swap3A_42 = vector.load %arg7[%swap3A_40, %swap3A_41] : memref<512x64xf32, #tpu.memory_space<vmem>>, vector<512x64xf32>
      tpu.vector_store %arg7[%swap3A_40, %swap3A_41], %broadcast_in_dim3A_39 {strides = array<i32>} : memref<512x64xf32, #tpu.memory_space<vmem>>, vector<512x64xf32>,
      %broadcast_in_dim3A_43 = arith.constant 0.000000e+00 : f32
      %broadcast_in_dim3A_44 = vector.broadcast %broadcast_in_dim3A_43 : f32 to vector<512x1xf32>
      %swap3A_45 = arith.constant 0 : index
      %swap3A_46 = arith.constant 0 : index
      %swap3A_47 = vector.load %arg8[%swap3A_45, %swap3A_46] : memref<512x1xf32, #tpu.memory_space<vmem>>, vector<512x1xf32>
      tpu.vector_store %arg8[%swap3A_45, %swap3A_46], %broadcast_in_dim3A_44 {strides = array<i32>} : memref<512x1xf32, #tpu.memory_space<vmem>>, vector<512x1xf32>,
    } else {
    }
    %get3A = arith.constant 0 : index
    %get3A_2 = arith.constant 0 : index
    %get3A_3 = vector.load %arg2[%get3A, %get3A_2] : memref<512x64xf32, #tpu.memory_space<vmem>>, vector<512x64xf32>
    %get3A_4 = arith.constant 0 : index
    %get3A_5 = arith.constant 0 : index
    %get3A_6 = vector.load %arg3[%get3A_4, %get3A_5] : memref<2048x64xf32, #tpu.memory_space<vmem>>, vector<2048x64xf32>
    %dot_general3A = arith.constant dense<0.000000e+00> : vector<512x2048xf32>
    %dot_general3A_7 = tpu.matmul %get3A_3, %get3A_6, %dot_general3A {dimension_numbers = #tpu.dot_dimension_numbers<[1], [1], [0], [0], [0, 0, 1, 0], [], []>, transpose_lhs_hint = false} : vector<512x64xf32>, vector<2048x64xf32>, vector<512x2048xf32> -> vector<512x2048xf32>
    %get3A_8 = arith.constant 0 : index
    %get3A_9 = arith.constant 0 : index
    %get3A_10 = vector.load %arg1[%get3A_8, %get3A_9] : memref<512x2048xf32, #tpu.memory_space<vmem>>, vector<512x2048xf32>
    %ge3A = arith.constant 0.000000e+00 : f32
    %ge3A_11 = vector.broadcast %ge3A : f32 to vector<512x2048xf32>
    %ge3A_12 = arith.cmpf oge, %dot_general3A_7, %ge3A_11 : vector<512x2048xf32>
    %convert_element_type3A_13 = arith.extui %ge3A_12 : vector<512x2048xi1> to vector<512x2048xi32>
    %convert_element_type3A_14 = arith.sitofp %convert_element_type3A_13 : vector<512x2048xi32> to vector<512x2048xf32>
    %mul3A = arith.mulf %get3A_10, %convert_element_type3A_14 : vector<512x2048xf32>
    %get3A_15 = arith.constant 0 : index
    %get3A_16 = arith.constant 0 : index
    %get3A_17 = vector.load %arg7[%get3A_15, %get3A_16] : memref<512x64xf32, #tpu.memory_space<vmem>>, vector<512x64xf32>
    %get3A_18 = arith.constant 0 : index
    %get3A_19 = arith.constant 0 : index
    %get3A_20 = vector.load %arg4[%get3A_18, %get3A_19] : memref<2048x64xf32, #tpu.memory_space<vmem>>, vector<2048x64xf32>
    %dot_general3A_21 = arith.constant dense<0.000000e+00> : vector<512x64xf32>
    %dot_general3A_22 = tpu.matmul %mul3A, %get3A_20, %dot_general3A_21 {dimension_numbers = #tpu.dot_dimension_numbers<[1], [0], [0], [1], [0, 0, 1, 1], [], []>, transpose_lhs_hint = false} : vector<512x2048xf32>, vector<2048x64xf32>, vector<512x64xf32> -> vector<512x64xf32>
    %add3A = arith.addf %get3A_17, %dot_general3A_22 : vector<512x64xf32>
    %swap3A = arith.constant 0 : index
    %swap3A_23 = arith.constant 0 : index
    %swap3A_24 = vector.load %arg7[%swap3A, %swap3A_23] : memref<512x64xf32, #tpu.memory_space<vmem>>, vector<512x64xf32>
    tpu.vector_store %arg7[%swap3A, %swap3A_23], %add3A {strides = array<i32>} : memref<512x64xf32, #tpu.memory_space<vmem>>, vector<512x64xf32>,
    %get3A_25 = arith.constant 0 : index
    %get3A_26 = arith.constant 0 : index
    %get3A_27 = vector.load %arg8[%get3A_25, %get3A_26] : memref<512x1xf32, #tpu.memory_space<vmem>>, vector<512x1xf32>
    %reduce_sum3A = arith.constant dense<0.000000e+00> : vector<512xf32>
    %reduce_sum3A_28 = vector.multi_reduction <add>, %mul3A, %reduce_sum3A [1] : vector<512x2048xf32> to vector<512xf32>
    %broadcast_in_dim3A = vector.shape_cast %reduce_sum3A_28 : vector<512xf32> to vector<512x1xf32>
    %add3A_29 = arith.addf %get3A_27, %broadcast_in_dim3A : vector<512x1xf32>
    %swap3A_30 = arith.constant 0 : index
    %swap3A_31 = arith.constant 0 : index
    %swap3A_32 = vector.load %arg8[%swap3A_30, %swap3A_31] : memref<512x1xf32, #tpu.memory_space<vmem>>, vector<512x1xf32>
    tpu.vector_store %arg8[%swap3A_30, %swap3A_31], %add3A_29 {strides = array<i32>} : memref<512x1xf32, #tpu.memory_space<vmem>>, vector<512x1xf32>,
    %eq3A_33 = arith.constant 1 : i32
    %eq3A_34 = arith.cmpi eq, %arg0, %eq3A_33 : i32
    %convert_element_type3A_35 = arith.extui %eq3A_34 : i1 to i32
    %cond3A_36 = arith.constant 0 : i32
    %cond3A_37 = arith.cmpi ne, %convert_element_type3A_35, %cond3A_36 : i32
    scf.if %cond3A_37 {
      %get3A_38 = arith.constant 0 : index
      %get3A_39 = arith.constant 0 : index
      %get3A_40 = vector.load %arg8[%get3A_38, %get3A_39] : memref<512x1xf32, #tpu.memory_space<vmem>>, vector<512x1xf32>
      %gt3A = arith.constant 0.000000e+00 : f32
      %gt3A_41 = vector.broadcast %gt3A : f32 to vector<512x1xf32>
      %gt3A_42 = arith.cmpf ogt, %get3A_40, %gt3A_41 : vector<512x1xf32>
      %div3A = arith.constant 1.000000e+00 : f32
      %div3A_43 = vector.broadcast %div3A : f32 to vector<512x1xf32>
      %div3A_44 = arith.divf %div3A_43, %get3A_40 : vector<512x1xf32>
      %jit3A = arith.constant 0.000000e+00 : f32
      %broadcast_in_dim3A_45 = vector.broadcast %jit3A : f32 to vector<512x1xf32>
      %select_n3A = arith.select %gt3A_42, %div3A_44, %broadcast_in_dim3A_45 : vector<512x1xi1>, vector<512x1xf32>
      %get3A_46 = arith.constant 0 : index
      %get3A_47 = arith.constant 0 : index
      %get3A_48 = vector.load %arg7[%get3A_46, %get3A_47] : memref<512x64xf32, #tpu.memory_space<vmem>>, vector<512x64xf32>
      %mul3A_49 = vector.broadcast %select_n3A : vector<512x1xf32> to vector<512x64xf32>
      %mul3A_50 = arith.mulf %get3A_48, %mul3A_49 : vector<512x64xf32>
      %max3A = arith.constant 0.000000e+00 : f32
      %max3A_51 = vector.broadcast %max3A : f32 to vector<512x64xf32>
      %max3A_52 = arith.maximumf %mul3A_50, %max3A_51 : vector<512x64xf32>
      %swap3A_53 = arith.constant 0 : index
      %swap3A_54 = arith.constant 0 : index
      %swap3A_55 = vector.load %arg5[%swap3A_53, %swap3A_54] : memref<512x64xf32, #tpu.memory_space<vmem>>, vector<512x64xf32>
      tpu.vector_store %arg5[%swap3A_53, %swap3A_54], %max3A_52 {strides = array<i32>} : memref<512x64xf32, #tpu.memory_space<vmem>>, vector<512x64xf32>,
      %swap3A_56 = arith.constant 0 : index
      %swap3A_57 = arith.constant 0 : index
      %swap3A_58 = vector.load %arg6[%swap3A_56, %swap3A_57] : memref<512x1xf32, #tpu.memory_space<vmem>>, vector<512x1xf32>
      tpu.vector_store %arg6[%swap3A_56, %swap3A_57], %get3A_40 {strides = array<i32>} : memref<512x1xf32, #tpu.memory_space<vmem>>, vector<512x1xf32>,
    } else {
    }
    return
  }
  func.func @transform_0(%arg0: i32) -> (i32, i32) {
    %c0_i32 = arith.constant 0 : i32
    %c0_i32_0 = arith.constant 0 : i32
    return %c0_i32, %arg0 : i32, i32
  }
  func.func @transform_1(%arg0: i32) -> (i32, i32) {
    %c0_i32 = arith.constant 0 : i32
    %c0_i32_0 = arith.constant 0 : i32
    %c0_i32_1 = arith.constant 0 : i32
    return %c0_i32, %c0_i32_0 : i32, i32
  }
  func.func @transform_2(%arg0: i32) -> (i32, i32) {
    %c0_i32 = arith.constant 0 : i32
    %c0_i32_0 = arith.constant 0 : i32
    return %arg0, %c0_i32 : i32, i32
  }
  func.func @transform_3(%arg0: i32) -> (i32, i32) {
    %c0_i32 = arith.constant 0 : i32
    %c0_i32_0 = arith.constant 0 : i32
    return %arg0, %c0_i32 : i32, i32
  }
  func.func @transform_4(%arg0: i32) -> (i32, i32) {
    %c0_i32 = arith.constant 0 : i32
    %c0_i32_0 = arith.constant 0 : i32
    %c0_i32_1 = arith.constant 0 : i32
    return %c0_i32, %c0_i32_0 : i32, i32
  }
  func.func @transform_5(%arg0: i32) -> (i32, i32) {
    %c0_i32 = arith.constant 0 : i32
    %c0_i32_0 = arith.constant 0 : i32
    %c0_i32_1 = arith.constant 0 : i32
    return %c0_i32, %c0_i32_0 : i32, i32
  }
}

module attributes {stable_mosaic.version = 14 : i64} {
  func.func @_main_body(%arg0: i32, %arg1: i32, %arg2: memref<256x2048xf32, #tpu.memory_space<vmem>>, %arg3: memref<256x64xf32, #tpu.memory_space<vmem>>, %arg4: memref<2048x64xf32, #tpu.memory_space<vmem>>, %arg5: memref<2048x64xf32, #tpu.memory_space<vmem>>, %arg6: memref<512x64xf32, #tpu.memory_space<vmem>>, %arg7: memref<512x64xf32, #tpu.memory_space<vmem>>, %arg8: memref<512x256xf32, #tpu.memory_space<vmem>>, %arg9: memref<256x1xf32, #tpu.memory_space<vmem>>, %arg10: memref<256x64xf32, #tpu.memory_space<vmem>>, %arg11: memref<256x1xf32, #tpu.memory_space<vmem>>, %arg12: memref<1x128xf32, #tpu.memory_space<vmem>>, %arg13: memref<256x64xf32, #tpu.memory_space<vmem>>, %arg14: memref<256x64xf32, #tpu.memory_space<vmem>>, %arg15: memref<256x1xf32, #tpu.memory_space<vmem>>) attributes {dimension_semantics = [#tpu.dimension_semantics<arbitrary>, #tpu.dimension_semantics<arbitrary>], iteration_bounds = array<i64: 16, 2>, scalar_prefetch = 0 : i64, scratch_operands = 3 : i64, tpu.core_type = #tpu.core_type<tc>, window_params = [{transform_indices = @transform_0, window_bounds = array<i64: 256, 2048>}, {transform_indices = @transform_1, window_bounds = array<i64: 256, 64>}, {transform_indices = @transform_2, window_bounds = array<i64: 2048, 64>}, {transform_indices = @transform_3, window_bounds = array<i64: 2048, 64>}, {pipeline_mode = #tpu.pipeline_mode<synchronous>, transform_indices = @transform_4, window_bounds = array<i64: 512, 64>}, {pipeline_mode = #tpu.pipeline_mode<synchronous>, transform_indices = @transform_5, window_bounds = array<i64: 512, 64>}, {transform_indices = @transform_6, window_bounds = array<i64: 512, 256>}, {transform_indices = @transform_7, window_bounds = array<i64: 256, 1>}, {transform_indices = @transform_8, window_bounds = array<i64: 256, 64>}, {transform_indices = @transform_9, window_bounds = array<i64: 256, 1>}, {pipeline_mode = #tpu.pipeline_mode<synchronous>, transform_indices = @transform_10, window_bounds = array<i64: 1, 128>}]} {
    %get3A = arith.constant 0 : index
    %get3A_0 = arith.constant 0 : index
    %get3A_1 = vector.load %arg2[%get3A, %get3A_0] : memref<256x2048xf32, #tpu.memory_space<vmem>>, vector<256x2048xf32>
    %get3A_2 = arith.constant 0 : index
    %get3A_3 = arith.constant 0 : index
    %get3A_4 = vector.load %arg3[%get3A_2, %get3A_3] : memref<256x64xf32, #tpu.memory_space<vmem>>, vector<256x64xf32>
    %eq3A = arith.constant 0 : i32
    %eq3A_5 = arith.cmpi eq, %arg0, %eq3A : i32
    %eq3A_6 = arith.constant 0 : i32
    %eq3A_7 = arith.cmpi eq, %arg1, %eq3A_6 : i32
    %and3A = arith.andi %eq3A_5, %eq3A_7 : i1
    %convert_element_type3A = arith.extui %and3A : i1 to i32
    %cond3A = arith.constant 0 : i32
    %cond3A_8 = arith.cmpi ne, %convert_element_type3A, %cond3A : i32
    scf.if %cond3A_8 {
      %broadcast_in_dim3A_90 = arith.constant 0.000000e+00 : f32
      %broadcast_in_dim3A_91 = vector.broadcast %broadcast_in_dim3A_90 : f32 to vector<1x128xf32>
      %swap3A_92 = arith.constant 0 : index
      %swap3A_93 = arith.constant 0 : index
      %swap3A_94 = vector.load %arg12[%swap3A_92, %swap3A_93] : memref<1x128xf32, #tpu.memory_space<vmem>>, vector<1x128xf32>
      tpu.vector_store %arg12[%swap3A_92, %swap3A_93], %broadcast_in_dim3A_91 {strides = array<i32>} : memref<1x128xf32, #tpu.memory_space<vmem>>, vector<1x128xf32>,
    } else {
    }
    %eq3A_9 = arith.constant 0 : i32
    %eq3A_10 = arith.cmpi eq, %arg1, %eq3A_9 : i32
    %convert_element_type3A_11 = arith.extui %eq3A_10 : i1 to i32
    %cond3A_12 = arith.constant 0 : i32
    %cond3A_13 = arith.cmpi ne, %convert_element_type3A_11, %cond3A_12 : i32
    scf.if %cond3A_13 {
      %get3A_90 = arith.constant 0 : index
      %get3A_91 = arith.constant 0 : index
      %get3A_92 = vector.load %arg6[%get3A_90, %get3A_91] : memref<512x64xf32, #tpu.memory_space<vmem>>, vector<512x64xf32>
      %dot_general3A_93 = arith.constant dense<0.000000e+00> : vector<512x256xf32>
      %dot_general3A_94 = tpu.matmul %get3A_92, %get3A_4, %dot_general3A_93 {dimension_numbers = #tpu.dot_dimension_numbers<[1], [1], [0], [0], [0, 0, 1, 0], [], []>, transpose_lhs_hint = false} : vector<512x64xf32>, vector<256x64xf32>, vector<512x256xf32> -> vector<512x256xf32>
      %get3A_95 = arith.constant 0 : index
      %get3A_96 = arith.constant 0 : index
      %get3A_97 = vector.load %arg8[%get3A_95, %get3A_96] : memref<512x256xf32, #tpu.memory_space<vmem>>, vector<512x256xf32>
      %ge3A = arith.constant 0.000000e+00 : f32
      %ge3A_98 = vector.broadcast %ge3A : f32 to vector<512x256xf32>
      %ge3A_99 = arith.cmpf oge, %dot_general3A_94, %ge3A_98 : vector<512x256xf32>
      %convert_element_type3A_100 = arith.extui %ge3A_99 : vector<512x256xi1> to vector<512x256xi32>
      %convert_element_type3A_101 = arith.sitofp %convert_element_type3A_100 : vector<512x256xi32> to vector<512x256xf32>
      %mul3A_102 = arith.mulf %get3A_97, %convert_element_type3A_101 : vector<512x256xf32>
      %get3A_103 = arith.constant 0 : index
      %get3A_104 = arith.constant 0 : index
      %get3A_105 = vector.load %arg7[%get3A_103, %get3A_104] : memref<512x64xf32, #tpu.memory_space<vmem>>, vector<512x64xf32>
      %dot_general3A_106 = arith.constant dense<0.000000e+00> : vector<256x64xf32>
      %dot_general3A_107 = tpu.matmul %mul3A_102, %get3A_105, %dot_general3A_106 {dimension_numbers = #tpu.dot_dimension_numbers<[0], [0], [1], [1], [0, 1, 1, 1], [], []>, transpose_lhs_hint = false} : vector<512x256xf32>, vector<512x64xf32>, vector<256x64xf32> -> vector<256x64xf32>
      %swap3A_108 = arith.constant 0 : index
      %swap3A_109 = arith.constant 0 : index
      %swap3A_110 = vector.load %arg14[%swap3A_108, %swap3A_109] : memref<256x64xf32, #tpu.memory_space<vmem>>, vector<256x64xf32>
      tpu.vector_store %arg14[%swap3A_108, %swap3A_109], %dot_general3A_107 {strides = array<i32>} : memref<256x64xf32, #tpu.memory_space<vmem>>, vector<256x64xf32>,
      %reduce_sum3A_111 = arith.constant dense<0.000000e+00> : vector<256xf32>
      %reduce_sum3A_112 = vector.multi_reduction <add>, %mul3A_102, %reduce_sum3A_111 [0] : vector<512x256xf32> to vector<256xf32>
      %broadcast_in_dim3A_113 = vector.shape_cast %reduce_sum3A_112 : vector<256xf32> to vector<256x1xf32>
      %swap3A_114 = arith.constant 0 : index
      %swap3A_115 = arith.constant 0 : index
      %swap3A_116 = vector.load %arg15[%swap3A_114, %swap3A_115] : memref<256x1xf32, #tpu.memory_space<vmem>>, vector<256x1xf32>
      tpu.vector_store %arg15[%swap3A_114, %swap3A_115], %broadcast_in_dim3A_113 {strides = array<i32>} : memref<256x1xf32, #tpu.memory_space<vmem>>, vector<256x1xf32>,
      %broadcast_in_dim3A_117 = arith.constant 0.000000e+00 : f32
      %broadcast_in_dim3A_118 = vector.broadcast %broadcast_in_dim3A_117 : f32 to vector<256x64xf32>
      %swap3A_119 = arith.constant 0 : index
      %swap3A_120 = arith.constant 0 : index
      %swap3A_121 = vector.load %arg13[%swap3A_119, %swap3A_120] : memref<256x64xf32, #tpu.memory_space<vmem>>, vector<256x64xf32>
      tpu.vector_store %arg13[%swap3A_119, %swap3A_120], %broadcast_in_dim3A_118 {strides = array<i32>} : memref<256x64xf32, #tpu.memory_space<vmem>>, vector<256x64xf32>,
    } else {
    }
    %get3A_14 = arith.constant 0 : index
    %get3A_15 = arith.constant 0 : index
    %get3A_16 = vector.load %arg13[%get3A_14, %get3A_15] : memref<256x64xf32, #tpu.memory_space<vmem>>, vector<256x64xf32>
    %get3A_17 = arith.constant 0 : index
    %get3A_18 = arith.constant 0 : index
    %get3A_19 = vector.load %arg5[%get3A_17, %get3A_18] : memref<2048x64xf32, #tpu.memory_space<vmem>>, vector<2048x64xf32>
    %dot_general3A = arith.constant dense<0.000000e+00> : vector<256x64xf32>
    %dot_general3A_20 = tpu.matmul %get3A_1, %get3A_19, %dot_general3A {dimension_numbers = #tpu.dot_dimension_numbers<[1], [0], [0], [1], [0, 0, 1, 1], [], []>, transpose_lhs_hint = false} : vector<256x2048xf32>, vector<2048x64xf32>, vector<256x64xf32> -> vector<256x64xf32>
    %add3A = arith.addf %get3A_16, %dot_general3A_20 : vector<256x64xf32>
    %swap3A = arith.constant 0 : index
    %swap3A_21 = arith.constant 0 : index
    %swap3A_22 = vector.load %arg13[%swap3A, %swap3A_21] : memref<256x64xf32, #tpu.memory_space<vmem>>, vector<256x64xf32>
    tpu.vector_store %arg13[%swap3A, %swap3A_21], %add3A {strides = array<i32>} : memref<256x64xf32, #tpu.memory_space<vmem>>, vector<256x64xf32>,
    %get3A_23 = arith.constant 0 : index
    %get3A_24 = arith.constant 0 : index
    %get3A_25 = vector.load %arg4[%get3A_23, %get3A_24] : memref<2048x64xf32, #tpu.memory_space<vmem>>, vector<2048x64xf32>
    %dot_general3A_26 = arith.constant dense<0.000000e+00> : vector<256x2048xf32>
    %dot_general3A_27 = tpu.matmul %get3A_4, %get3A_25, %dot_general3A_26 {dimension_numbers = #tpu.dot_dimension_numbers<[1], [1], [0], [0], [0, 0, 1, 0], [], []>, transpose_lhs_hint = false} : vector<256x64xf32>, vector<2048x64xf32>, vector<256x2048xf32> -> vector<256x2048xf32>
    %logistic3A = arith.negf %dot_general3A_27 : vector<256x2048xf32>
    %logistic3A_28 = math.exp %logistic3A : vector<256x2048xf32>
    %logistic3A_29 = arith.constant 1.000000e+00 : f32
    %logistic3A_30 = vector.broadcast %logistic3A_29 : f32 to vector<256x2048xf32>
    %logistic3A_31 = arith.addf %logistic3A_30, %logistic3A_28 : vector<256x2048xf32>
    %logistic3A_32 = arith.divf %logistic3A_30, %logistic3A_31 : vector<256x2048xf32>
    %ne3A = arith.constant 0.000000e+00 : f32
    %ne3A_33 = vector.broadcast %ne3A : f32 to vector<256x2048xf32>
    %ne3A_34 = arith.cmpf one, %get3A_1, %ne3A_33 : vector<256x2048xf32>
    %jit3A = arith.constant 0.000000e+00 : f32
    %broadcast_in_dim3A = vector.broadcast %jit3A : f32 to vector<256x2048xf32>
    %select_n3A = arith.select %ne3A_34, %broadcast_in_dim3A, %logistic3A_32 : vector<256x2048xi1>, vector<256x2048xf32>
    %sub3A = arith.subf %logistic3A_32, %get3A_1 : vector<256x2048xf32>
    %jit3A_35 = arith.constant 0.000000e+00 : f32
    %broadcast_in_dim3A_36 = vector.broadcast %jit3A_35 : f32 to vector<256x2048xf32>
    %select_n3A_37 = arith.select %ne3A_34, %sub3A, %broadcast_in_dim3A_36 : vector<256x2048xi1>, vector<256x2048xf32>
    %iota3A = tpu.iota {dimensions = array<i32: 1>} : vector<1x128xi32>
    %eq3A_38 = arith.constant 0 : i32
    %eq3A_39 = vector.broadcast %eq3A_38 : i32 to vector<1x128xi32>
    %eq3A_40 = arith.cmpi eq, %iota3A, %eq3A_39 : vector<1x128xi32>
    %mul3A = arith.mulf %select_n3A, %select_n3A : vector<256x2048xf32>
    %reduce_sum3A = vector.shape_cast %mul3A : vector<256x2048xf32> to vector<1x256x2048xf32>
    %reduce_sum3A_41 = arith.constant dense<0.000000e+00> : vector<1xf32>
    %reduce_sum3A_42 = vector.multi_reduction <add>, %reduce_sum3A, %reduce_sum3A_41 [1, 2] : vector<1x256x2048xf32> to vector<1xf32>
    %reduce_sum3A_43 = vector.shape_cast %reduce_sum3A_42 : vector<1xf32> to vector<1x1x1xf32>
    %reduce_sum3A_44 = vector.extract %reduce_sum3A_43[0, 0, 0] : f32 from vector<1x1x1xf32>
    %jit3A_45 = arith.constant 0.000000e+00 : f32
    %broadcast_in_dim3A_46 = vector.broadcast %reduce_sum3A_44 : f32 to vector<1x128xf32>
    %broadcast_in_dim3A_47 = vector.broadcast %jit3A_45 : f32 to vector<1x128xf32>
    %select_n3A_48 = arith.select %eq3A_40, %broadcast_in_dim3A_46, %broadcast_in_dim3A_47 : vector<1x128xi1>, vector<1x128xf32>
    %eq3A_49 = arith.constant 1 : i32
    %eq3A_50 = vector.broadcast %eq3A_49 : i32 to vector<1x128xi32>
    %eq3A_51 = arith.cmpi eq, %iota3A, %eq3A_50 : vector<1x128xi32>
    %mul3A_52 = arith.mulf %select_n3A_37, %select_n3A_37 : vector<256x2048xf32>
    %reduce_sum3A_53 = vector.shape_cast %mul3A_52 : vector<256x2048xf32> to vector<1x256x2048xf32>
    %reduce_sum3A_54 = arith.constant dense<0.000000e+00> : vector<1xf32>
    %reduce_sum3A_55 = vector.multi_reduction <add>, %reduce_sum3A_53, %reduce_sum3A_54 [1, 2] : vector<1x256x2048xf32> to vector<1xf32>
    %reduce_sum3A_56 = vector.shape_cast %reduce_sum3A_55 : vector<1xf32> to vector<1x1x1xf32>
    %reduce_sum3A_57 = vector.extract %reduce_sum3A_56[0, 0, 0] : f32 from vector<1x1x1xf32>
    %jit3A_58 = arith.constant 0.000000e+00 : f32
    %broadcast_in_dim3A_59 = vector.broadcast %reduce_sum3A_57 : f32 to vector<1x128xf32>
    %broadcast_in_dim3A_60 = vector.broadcast %jit3A_58 : f32 to vector<1x128xf32>
    %select_n3A_61 = arith.select %eq3A_51, %broadcast_in_dim3A_59, %broadcast_in_dim3A_60 : vector<1x128xi1>, vector<1x128xf32>
    %add3A_62 = arith.addf %select_n3A_48, %select_n3A_61 : vector<1x128xf32>
    %eq3A_63 = arith.constant 2 : i32
    %eq3A_64 = vector.broadcast %eq3A_63 : i32 to vector<1x128xi32>
    %eq3A_65 = arith.cmpi eq, %iota3A, %eq3A_64 : vector<1x128xi32>
    %convert_element_type3A_66 = arith.extui %ne3A_34 : vector<256x2048xi1> to vector<256x2048xi32>
    %convert_element_type3A_67 = arith.sitofp %convert_element_type3A_66 : vector<256x2048xi32> to vector<256x2048xf32>
    %reduce_sum3A_68 = vector.shape_cast %convert_element_type3A_67 : vector<256x2048xf32> to vector<1x256x2048xf32>
    %reduce_sum3A_69 = arith.constant dense<0.000000e+00> : vector<1xf32>
    %reduce_sum3A_70 = vector.multi_reduction <add>, %reduce_sum3A_68, %reduce_sum3A_69 [1, 2] : vector<1x256x2048xf32> to vector<1xf32>
    %reduce_sum3A_71 = vector.shape_cast %reduce_sum3A_70 : vector<1xf32> to vector<1x1x1xf32>
    %reduce_sum3A_72 = vector.extract %reduce_sum3A_71[0, 0, 0] : f32 from vector<1x1x1xf32>
    %jit3A_73 = arith.constant 0.000000e+00 : f32
    %broadcast_in_dim3A_74 = vector.broadcast %reduce_sum3A_72 : f32 to vector<1x128xf32>
    %broadcast_in_dim3A_75 = vector.broadcast %jit3A_73 : f32 to vector<1x128xf32>
    %select_n3A_76 = arith.select %eq3A_65, %broadcast_in_dim3A_74, %broadcast_in_dim3A_75 : vector<1x128xi1>, vector<1x128xf32>
    %add3A_77 = arith.addf %add3A_62, %select_n3A_76 : vector<1x128xf32>
    %get3A_78 = arith.constant 0 : index
    %get3A_79 = arith.constant 0 : index
    %get3A_80 = vector.load %arg12[%get3A_78, %get3A_79] : memref<1x128xf32, #tpu.memory_space<vmem>>, vector<1x128xf32>
    %add3A_81 = arith.addf %get3A_80, %add3A_77 : vector<1x128xf32>
    %swap3A_82 = arith.constant 0 : index
    %swap3A_83 = arith.constant 0 : index
    %swap3A_84 = vector.load %arg12[%swap3A_82, %swap3A_83] : memref<1x128xf32, #tpu.memory_space<vmem>>, vector<1x128xf32>
    tpu.vector_store %arg12[%swap3A_82, %swap3A_83], %add3A_81 {strides = array<i32>} : memref<1x128xf32, #tpu.memory_space<vmem>>, vector<1x128xf32>,
    %eq3A_85 = arith.constant 1 : i32
    %eq3A_86 = arith.cmpi eq, %arg1, %eq3A_85 : i32
    %convert_element_type3A_87 = arith.extui %eq3A_86 : i1 to i32
    %cond3A_88 = arith.constant 0 : i32
    %cond3A_89 = arith.cmpi ne, %convert_element_type3A_87, %cond3A_88 : i32
    scf.if %cond3A_89 {
      %get3A_90 = arith.constant 0 : index
      %get3A_91 = arith.constant 0 : index
      %get3A_92 = vector.load %arg9[%get3A_90, %get3A_91] : memref<256x1xf32, #tpu.memory_space<vmem>>, vector<256x1xf32>
      %get3A_93 = arith.constant 0 : index
      %get3A_94 = arith.constant 0 : index
      %get3A_95 = vector.load %arg15[%get3A_93, %get3A_94] : memref<256x1xf32, #tpu.memory_space<vmem>>, vector<256x1xf32>
      %add3A_96 = arith.addf %get3A_92, %get3A_95 : vector<256x1xf32>
      %gt3A = arith.constant 0.000000e+00 : f32
      %gt3A_97 = vector.broadcast %gt3A : f32 to vector<256x1xf32>
      %gt3A_98 = arith.cmpf ogt, %add3A_96, %gt3A_97 : vector<256x1xf32>
      %div3A = arith.constant 1.000000e+00 : f32
      %div3A_99 = vector.broadcast %div3A : f32 to vector<256x1xf32>
      %div3A_100 = arith.divf %div3A_99, %add3A_96 : vector<256x1xf32>
      %jit3A_101 = arith.constant 0.000000e+00 : f32
      %broadcast_in_dim3A_102 = vector.broadcast %jit3A_101 : f32 to vector<256x1xf32>
      %select_n3A_103 = arith.select %gt3A_98, %div3A_100, %broadcast_in_dim3A_102 : vector<256x1xi1>, vector<256x1xf32>
      %get3A_104 = arith.constant 0 : index
      %get3A_105 = arith.constant 0 : index
      %get3A_106 = vector.load %arg13[%get3A_104, %get3A_105] : memref<256x64xf32, #tpu.memory_space<vmem>>, vector<256x64xf32>
      %get3A_107 = arith.constant 0 : index
      %get3A_108 = arith.constant 0 : index
      %get3A_109 = vector.load %arg14[%get3A_107, %get3A_108] : memref<256x64xf32, #tpu.memory_space<vmem>>, vector<256x64xf32>
      %add3A_110 = arith.addf %get3A_106, %get3A_109 : vector<256x64xf32>
      %mul3A_111 = vector.broadcast %select_n3A_103 : vector<256x1xf32> to vector<256x64xf32>
      %mul3A_112 = arith.mulf %add3A_110, %mul3A_111 : vector<256x64xf32>
      %max3A = arith.constant 0.000000e+00 : f32
      %max3A_113 = vector.broadcast %max3A : f32 to vector<256x64xf32>
      %max3A_114 = arith.maximumf %mul3A_112, %max3A_113 : vector<256x64xf32>
      %swap3A_115 = arith.constant 0 : index
      %swap3A_116 = arith.constant 0 : index
      %swap3A_117 = vector.load %arg10[%swap3A_115, %swap3A_116] : memref<256x64xf32, #tpu.memory_space<vmem>>, vector<256x64xf32>
      tpu.vector_store %arg10[%swap3A_115, %swap3A_116], %max3A_114 {strides = array<i32>} : memref<256x64xf32, #tpu.memory_space<vmem>>, vector<256x64xf32>,
      %swap3A_118 = arith.constant 0 : index
      %swap3A_119 = arith.constant 0 : index
      %swap3A_120 = vector.load %arg11[%swap3A_118, %swap3A_119] : memref<256x1xf32, #tpu.memory_space<vmem>>, vector<256x1xf32>
      tpu.vector_store %arg11[%swap3A_118, %swap3A_119], %add3A_96 {strides = array<i32>} : memref<256x1xf32, #tpu.memory_space<vmem>>, vector<256x1xf32>,
    } else {
    }
    return
  }
  func.func @transform_0(%arg0: i32, %arg1: i32) -> (i32, i32) {
    %c0_i32 = arith.constant 0 : i32
    return %arg0, %arg1 : i32, i32
  }
  func.func @transform_1(%arg0: i32, %arg1: i32) -> (i32, i32) {
    %c0_i32 = arith.constant 0 : i32
    %c0_i32_0 = arith.constant 0 : i32
    return %arg0, %c0_i32 : i32, i32
  }
  func.func @transform_2(%arg0: i32, %arg1: i32) -> (i32, i32) {
    %c0_i32 = arith.constant 0 : i32
    %c0_i32_0 = arith.constant 0 : i32
    return %arg1, %c0_i32 : i32, i32
  }
  func.func @transform_3(%arg0: i32, %arg1: i32) -> (i32, i32) {
    %c0_i32 = arith.constant 0 : i32
    %c0_i32_0 = arith.constant 0 : i32
    return %arg1, %c0_i32 : i32, i32
  }
  func.func @transform_4(%arg0: i32, %arg1: i32) -> (i32, i32) {
    %c0_i32 = arith.constant 0 : i32
    %c0_i32_0 = arith.constant 0 : i32
    %c0_i32_1 = arith.constant 0 : i32
    return %c0_i32, %c0_i32_0 : i32, i32
  }
  func.func @transform_5(%arg0: i32, %arg1: i32) -> (i32, i32) {
    %c0_i32 = arith.constant 0 : i32
    %c0_i32_0 = arith.constant 0 : i32
    %c0_i32_1 = arith.constant 0 : i32
    return %c0_i32, %c0_i32_0 : i32, i32
  }
  func.func @transform_6(%arg0: i32, %arg1: i32) -> (i32, i32) {
    %c0_i32 = arith.constant 0 : i32
    %c0_i32_0 = arith.constant 0 : i32
    return %c0_i32, %arg0 : i32, i32
  }
  func.func @transform_7(%arg0: i32, %arg1: i32) -> (i32, i32) {
    %c0_i32 = arith.constant 0 : i32
    %c0_i32_0 = arith.constant 0 : i32
    return %arg0, %c0_i32 : i32, i32
  }
  func.func @transform_8(%arg0: i32, %arg1: i32) -> (i32, i32) {
    %c0_i32 = arith.constant 0 : i32
    %c0_i32_0 = arith.constant 0 : i32
    return %arg0, %c0_i32 : i32, i32
  }
  func.func @transform_9(%arg0: i32, %arg1: i32) -> (i32, i32) {
    %c0_i32 = arith.constant 0 : i32
    %c0_i32_0 = arith.constant 0 : i32
    return %arg0, %c0_i32 : i32, i32
  }
  func.func @transform_10(%arg0: i32, %arg1: i32) -> (i32, i32) {
    %c0_i32 = arith.constant 0 : i32
    %c0_i32_0 = arith.constant 0 : i32
    %c0_i32_1 = arith.constant 0 : i32
    return %c0_i32, %c0_i32_0 : i32, i32
  }
}

module attributes {stable_mosaic.version = 14 : i64} {
  func.func @_cls2_top_body(%arg0: i32, %arg1: memref<512x2048xf32, #tpu.memory_space<vmem>>, %arg2: memref<2048x64xf32, #tpu.memory_space<vmem>>, %arg3: memref<512x64xf32, #tpu.memory_space<vmem>>, %arg4: memref<512x64xf32, #tpu.memory_space<vmem>>, %arg5: memref<512x64xf32, #tpu.memory_space<vmem>>, %arg6: memref<512x512xf32, #tpu.memory_space<vmem>>, %arg7: memref<512x1xf32, #tpu.memory_space<vmem>>, %arg8: memref<512x64xf32, #tpu.memory_space<vmem>>, %arg9: memref<512x64xf32, #tpu.memory_space<vmem>>) attributes {dimension_semantics = [#tpu.dimension_semantics<arbitrary>], iteration_bounds = array<i64: 2>, scalar_prefetch = 0 : i64, scratch_operands = 1 : i64, tpu.core_type = #tpu.core_type<tc>, window_params = [{transform_indices = @transform_0, window_bounds = array<i64: 512, 2048>}, {transform_indices = @transform_1, window_bounds = array<i64: 2048, 64>}, {pipeline_mode = #tpu.pipeline_mode<synchronous>, transform_indices = @transform_2, window_bounds = array<i64: 512, 64>}, {pipeline_mode = #tpu.pipeline_mode<synchronous>, transform_indices = @transform_3, window_bounds = array<i64: 512, 64>}, {pipeline_mode = #tpu.pipeline_mode<synchronous>, transform_indices = @transform_4, window_bounds = array<i64: 512, 64>}, {pipeline_mode = #tpu.pipeline_mode<synchronous>, transform_indices = @transform_5, window_bounds = array<i64: 512, 512>}, {pipeline_mode = #tpu.pipeline_mode<synchronous>, transform_indices = @transform_6, window_bounds = array<i64: 512, 1>}, {pipeline_mode = #tpu.pipeline_mode<synchronous>, transform_indices = @transform_7, window_bounds = array<i64: 512, 64>}]} {
    %eq3A = arith.constant 0 : i32
    %eq3A_0 = arith.cmpi eq, %arg0, %eq3A : i32
    %convert_element_type3A = arith.extui %eq3A_0 : i1 to i32
    %cond3A = arith.constant 0 : i32
    %cond3A_1 = arith.cmpi ne, %convert_element_type3A, %cond3A : i32
    scf.if %cond3A_1 {
      %broadcast_in_dim3A = arith.constant 0.000000e+00 : f32
      %broadcast_in_dim3A_18 = vector.broadcast %broadcast_in_dim3A : f32 to vector<512x64xf32>
      %swap3A_19 = arith.constant 0 : index
      %swap3A_20 = arith.constant 0 : index
      %swap3A_21 = vector.load %arg9[%swap3A_19, %swap3A_20] : memref<512x64xf32, #tpu.memory_space<vmem>>, vector<512x64xf32>
      tpu.vector_store %arg9[%swap3A_19, %swap3A_20], %broadcast_in_dim3A_18 {strides = array<i32>} : memref<512x64xf32, #tpu.memory_space<vmem>>, vector<512x64xf32>,
    } else {
    }
    %get3A = arith.constant 0 : index
    %get3A_2 = arith.constant 0 : index
    %get3A_3 = vector.load %arg9[%get3A, %get3A_2] : memref<512x64xf32, #tpu.memory_space<vmem>>, vector<512x64xf32>
    %get3A_4 = arith.constant 0 : index
    %get3A_5 = arith.constant 0 : index
    %get3A_6 = vector.load %arg1[%get3A_4, %get3A_5] : memref<512x2048xf32, #tpu.memory_space<vmem>>, vector<512x2048xf32>
    %get3A_7 = arith.constant 0 : index
    %get3A_8 = arith.constant 0 : index
    %get3A_9 = vector.load %arg2[%get3A_7, %get3A_8] : memref<2048x64xf32, #tpu.memory_space<vmem>>, vector<2048x64xf32>
    %dot_general3A = arith.constant dense<0.000000e+00> : vector<512x64xf32>
    %dot_general3A_10 = tpu.matmul %get3A_6, %get3A_9, %dot_general3A {dimension_numbers = #tpu.dot_dimension_numbers<[1], [0], [0], [1], [0, 0, 1, 1], [], []>, transpose_lhs_hint = false} : vector<512x2048xf32>, vector<2048x64xf32>, vector<512x64xf32> -> vector<512x64xf32>
    %add3A = arith.addf %get3A_3, %dot_general3A_10 : vector<512x64xf32>
    %swap3A = arith.constant 0 : index
    %swap3A_11 = arith.constant 0 : index
    %swap3A_12 = vector.load %arg9[%swap3A, %swap3A_11] : memref<512x64xf32, #tpu.memory_space<vmem>>, vector<512x64xf32>
    tpu.vector_store %arg9[%swap3A, %swap3A_11], %add3A {strides = array<i32>} : memref<512x64xf32, #tpu.memory_space<vmem>>, vector<512x64xf32>,
    %eq3A_13 = arith.constant 1 : i32
    %eq3A_14 = arith.cmpi eq, %arg0, %eq3A_13 : i32
    %convert_element_type3A_15 = arith.extui %eq3A_14 : i1 to i32
    %cond3A_16 = arith.constant 0 : i32
    %cond3A_17 = arith.cmpi ne, %convert_element_type3A_15, %cond3A_16 : i32
    scf.if %cond3A_17 {
      %get3A_18 = arith.constant 0 : index
      %get3A_19 = arith.constant 0 : index
      %get3A_20 = vector.load %arg4[%get3A_18, %get3A_19] : memref<512x64xf32, #tpu.memory_space<vmem>>, vector<512x64xf32>
      %get3A_21 = arith.constant 0 : index
      %get3A_22 = arith.constant 0 : index
      %get3A_23 = vector.load %arg3[%get3A_21, %get3A_22] : memref<512x64xf32, #tpu.memory_space<vmem>>, vector<512x64xf32>
      %dot_general3A_24 = arith.constant dense<0.000000e+00> : vector<512x512xf32>
      %dot_general3A_25 = tpu.matmul %get3A_20, %get3A_23, %dot_general3A_24 {dimension_numbers = #tpu.dot_dimension_numbers<[1], [1], [0], [0], [0, 0, 1, 0], [], []>, transpose_lhs_hint = false} : vector<512x64xf32>, vector<512x64xf32>, vector<512x512xf32> -> vector<512x512xf32>
      %get3A_26 = arith.constant 0 : index
      %get3A_27 = arith.constant 0 : index
      %get3A_28 = vector.load %arg6[%get3A_26, %get3A_27] : memref<512x512xf32, #tpu.memory_space<vmem>>, vector<512x512xf32>
      %ge3A = arith.constant 0.000000e+00 : f32
      %ge3A_29 = vector.broadcast %ge3A : f32 to vector<512x512xf32>
      %ge3A_30 = arith.cmpf oge, %dot_general3A_25, %ge3A_29 : vector<512x512xf32>
      %convert_element_type3A_31 = arith.extui %ge3A_30 : vector<512x512xi1> to vector<512x512xi32>
      %convert_element_type3A_32 = arith.sitofp %convert_element_type3A_31 : vector<512x512xi32> to vector<512x512xf32>
      %mul3A = arith.mulf %get3A_28, %convert_element_type3A_32 : vector<512x512xf32>
      %get3A_33 = arith.constant 0 : index
      %get3A_34 = arith.constant 0 : index
      %get3A_35 = vector.load %arg5[%get3A_33, %get3A_34] : memref<512x64xf32, #tpu.memory_space<vmem>>, vector<512x64xf32>
      %dot_general3A_36 = arith.constant dense<0.000000e+00> : vector<512x64xf32>
      %dot_general3A_37 = tpu.matmul %mul3A, %get3A_35, %dot_general3A_36 {dimension_numbers = #tpu.dot_dimension_numbers<[0], [0], [1], [1], [0, 1, 1, 1], [], []>, transpose_lhs_hint = false} : vector<512x512xf32>, vector<512x64xf32>, vector<512x64xf32> -> vector<512x64xf32>
      %get3A_38 = arith.constant 0 : index
      %get3A_39 = arith.constant 0 : index
      %get3A_40 = vector.load %arg7[%get3A_38, %get3A_39] : memref<512x1xf32, #tpu.memory_space<vmem>>, vector<512x1xf32>
      %gt3A = arith.constant 0.000000e+00 : f32
      %gt3A_41 = vector.broadcast %gt3A : f32 to vector<512x1xf32>
      %gt3A_42 = arith.cmpf ogt, %get3A_40, %gt3A_41 : vector<512x1xf32>
      %div3A = arith.constant 1.000000e+00 : f32
      %div3A_43 = vector.broadcast %div3A : f32 to vector<512x1xf32>
      %div3A_44 = arith.divf %div3A_43, %get3A_40 : vector<512x1xf32>
      %jit3A = arith.constant 0.000000e+00 : f32
      %broadcast_in_dim3A = vector.broadcast %jit3A : f32 to vector<512x1xf32>
      %select_n3A = arith.select %gt3A_42, %div3A_44, %broadcast_in_dim3A : vector<512x1xi1>, vector<512x1xf32>
      %get3A_45 = arith.constant 0 : index
      %get3A_46 = arith.constant 0 : index
      %get3A_47 = vector.load %arg9[%get3A_45, %get3A_46] : memref<512x64xf32, #tpu.memory_space<vmem>>, vector<512x64xf32>
      %add3A_48 = arith.addf %get3A_47, %dot_general3A_37 : vector<512x64xf32>
      %mul3A_49 = vector.broadcast %select_n3A : vector<512x1xf32> to vector<512x64xf32>
      %mul3A_50 = arith.mulf %add3A_48, %mul3A_49 : vector<512x64xf32>
      %max3A = arith.constant 0.000000e+00 : f32
      %max3A_51 = vector.broadcast %max3A : f32 to vector<512x64xf32>
      %max3A_52 = arith.maximumf %mul3A_50, %max3A_51 : vector<512x64xf32>
      %swap3A_53 = arith.constant 0 : index
      %swap3A_54 = arith.constant 0 : index
      %swap3A_55 = vector.load %arg8[%swap3A_53, %swap3A_54] : memref<512x64xf32, #tpu.memory_space<vmem>>, vector<512x64xf32>
      tpu.vector_store %arg8[%swap3A_53, %swap3A_54], %max3A_52 {strides = array<i32>} : memref<512x64xf32, #tpu.memory_space<vmem>>, vector<512x64xf32>,
    } else {
    }
    return
  }
  func.func @transform_0(%arg0: i32) -> (i32, i32) {
    %c0_i32 = arith.constant 0 : i32
    %c0_i32_0 = arith.constant 0 : i32
    return %c0_i32, %arg0 : i32, i32
  }
  func.func @transform_1(%arg0: i32) -> (i32, i32) {
    %c0_i32 = arith.constant 0 : i32
    %c0_i32_0 = arith.constant 0 : i32
    return %arg0, %c0_i32 : i32, i32
  }
  func.func @transform_2(%arg0: i32) -> (i32, i32) {
    %c0_i32 = arith.constant 0 : i32
    %c0_i32_0 = arith.constant 0 : i32
    %c0_i32_1 = arith.constant 0 : i32
    return %c0_i32, %c0_i32_0 : i32, i32
  }
  func.func @transform_3(%arg0: i32) -> (i32, i32) {
    %c0_i32 = arith.constant 0 : i32
    %c0_i32_0 = arith.constant 0 : i32
    %c0_i32_1 = arith.constant 0 : i32
    return %c0_i32, %c0_i32_0 : i32, i32
  }
  func.func @transform_4(%arg0: i32) -> (i32, i32) {
    %c0_i32 = arith.constant 0 : i32
    %c0_i32_0 = arith.constant 0 : i32
    %c0_i32_1 = arith.constant 0 : i32
    return %c0_i32, %c0_i32_0 : i32, i32
  }
  func.func @transform_5(%arg0: i32) -> (i32, i32) {
    %c0_i32 = arith.constant 0 : i32
    %c0_i32_0 = arith.constant 0 : i32
    %c0_i32_1 = arith.constant 0 : i32
    return %c0_i32, %c0_i32_0 : i32, i32
  }
  func.func @transform_6(%arg0: i32) -> (i32, i32) {
    %c0_i32 = arith.constant 0 : i32
    %c0_i32_0 = arith.constant 0 : i32
    %c0_i32_1 = arith.constant 0 : i32
    return %c0_i32, %c0_i32_0 : i32, i32
  }
  func.func @transform_7(%arg0: i32) -> (i32, i32) {
    %c0_i32 = arith.constant 0 : i32
    %c0_i32_0 = arith.constant 0 : i32
    %c0_i32_1 = arith.constant 0 : i32
    return %c0_i32, %c0_i32_0 : i32, i32
  }
}

module attributes {stable_mosaic.version = 14 : i64} {
  func.func @_loss_ce_body(%arg0: memref<512x64xf32, #tpu.memory_space<vmem>>, %arg1: memref<512x64xf32, #tpu.memory_space<vmem>>, %arg2: memref<64x128xf32, #tpu.memory_space<vmem>>, %arg3: memref<512x1xi32, #tpu.memory_space<vmem>>, %arg4: memref<512x1xi32, #tpu.memory_space<vmem>>, %arg5: memref<512x1xf32, #tpu.memory_space<vmem>>, %arg6: memref<1x128xf32, #tpu.memory_space<vmem>>) attributes {dimension_semantics = [], scalar_prefetch = 0 : i64, scratch_operands = 0 : i64, tpu.core_type = #tpu.core_type<tc>} {
    %get3A = arith.constant 0 : index
    %get3A_0 = arith.constant 0 : index
    %get3A_1 = vector.load %arg0[%get3A, %get3A_0] : memref<512x64xf32, #tpu.memory_space<vmem>>, vector<512x64xf32>
    %get3A_2 = arith.constant 0 : index
    %get3A_3 = arith.constant 0 : index
    %get3A_4 = vector.load %arg2[%get3A_2, %get3A_3] : memref<64x128xf32, #tpu.memory_space<vmem>>, vector<64x128xf32>
    %dot_general3A = arith.constant dense<0.000000e+00> : vector<512x128xf32>
    %dot_general3A_5 = tpu.matmul %get3A_1, %get3A_4, %dot_general3A {dimension_numbers = #tpu.dot_dimension_numbers<[1], [0], [0], [1], [0, 0, 1, 1], [], []>, transpose_lhs_hint = false} : vector<512x64xf32>, vector<64x128xf32>, vector<512x128xf32> -> vector<512x128xf32>
    %get3A_6 = arith.constant 0 : index
    %get3A_7 = arith.constant 0 : index
    %get3A_8 = vector.load %arg1[%get3A_6, %get3A_7] : memref<512x64xf32, #tpu.memory_space<vmem>>, vector<512x64xf32>
    %get3A_9 = arith.constant 0 : index
    %get3A_10 = arith.constant 0 : index
    %get3A_11 = vector.load %arg2[%get3A_9, %get3A_10] : memref<64x128xf32, #tpu.memory_space<vmem>>, vector<64x128xf32>
    %dot_general3A_12 = arith.constant dense<0.000000e+00> : vector<512x128xf32>
    %dot_general3A_13 = tpu.matmul %get3A_8, %get3A_11, %dot_general3A_12 {dimension_numbers = #tpu.dot_dimension_numbers<[1], [0], [0], [1], [0, 0, 1, 1], [], []>, transpose_lhs_hint = false} : vector<512x64xf32>, vector<64x128xf32>, vector<512x128xf32> -> vector<512x128xf32>
    %iota3A = tpu.iota {dimensions = array<i32: 1>} : vector<512x128xi32>
    %lt3A = arith.constant 10 : i32
    %lt3A_14 = vector.broadcast %lt3A : i32 to vector<512x128xi32>
    %lt3A_15 = arith.cmpi slt, %iota3A, %lt3A_14 : vector<512x128xi32>
    %get3A_16 = arith.constant 0 : index
    %get3A_17 = arith.constant 0 : index
    %get3A_18 = vector.load %arg5[%get3A_16, %get3A_17] : memref<512x1xf32, #tpu.memory_space<vmem>>, vector<512x1xf32>
    %get3A_19 = arith.constant 0 : index
    %get3A_20 = arith.constant 0 : index
    %get3A_21 = vector.load %arg3[%get3A_19, %get3A_20] : memref<512x1xi32, #tpu.memory_space<vmem>>, vector<512x1xi32>
    %jit3A = arith.constant 0xFF800000 : f32
    %broadcast_in_dim3A = vector.broadcast %jit3A : f32 to vector<512x128xf32>
    %select_n3A = arith.select %lt3A_15, %dot_general3A_5, %broadcast_in_dim3A : vector<512x128xi1>, vector<512x128xf32>
    %reduce_max3A = arith.constant dense<0xFF800000> : vector<512xf32>
    %reduce_max3A_22 = vector.multi_reduction <maximumf>, %select_n3A, %reduce_max3A [1] : vector<512x128xf32> to vector<512xf32>
    %broadcast_in_dim3A_23 = vector.shape_cast %reduce_max3A_22 : vector<512xf32> to vector<512x1xf32>
    %sub3A = vector.broadcast %broadcast_in_dim3A_23 : vector<512x1xf32> to vector<512x128xf32>
    %sub3A_24 = arith.subf %select_n3A, %sub3A : vector<512x128xf32>
    %exp3A = math.exp %sub3A_24 : vector<512x128xf32>
    %jit3A_25 = arith.constant 0.000000e+00 : f32
    %broadcast_in_dim3A_26 = vector.broadcast %jit3A_25 : f32 to vector<512x128xf32>
    %select_n3A_27 = arith.select %lt3A_15, %exp3A, %broadcast_in_dim3A_26 : vector<512x128xi1>, vector<512x128xf32>
    %reduce_sum3A = arith.constant dense<0.000000e+00> : vector<512xf32>
    %reduce_sum3A_28 = vector.multi_reduction <add>, %select_n3A_27, %reduce_sum3A [1] : vector<512x128xf32> to vector<512xf32>
    %broadcast_in_dim3A_29 = vector.shape_cast %reduce_sum3A_28 : vector<512xf32> to vector<512x1xf32>
    %log3A = math.log %broadcast_in_dim3A_29 : vector<512x1xf32>
    %add3A = arith.addf %log3A, %broadcast_in_dim3A_23 : vector<512x1xf32>
    %eq3A = vector.broadcast %get3A_21 : vector<512x1xi32> to vector<512x128xi32>
    %eq3A_30 = arith.cmpi eq, %iota3A, %eq3A : vector<512x128xi32>
    %jit3A_31 = arith.constant 0.000000e+00 : f32
    %broadcast_in_dim3A_32 = vector.broadcast %jit3A_31 : f32 to vector<512x128xf32>
    %select_n3A_33 = arith.select %eq3A_30, %dot_general3A_5, %broadcast_in_dim3A_32 : vector<512x128xi1>, vector<512x128xf32>
    %reduce_sum3A_34 = arith.constant dense<0.000000e+00> : vector<512xf32>
    %reduce_sum3A_35 = vector.multi_reduction <add>, %select_n3A_33, %reduce_sum3A_34 [1] : vector<512x128xf32> to vector<512xf32>
    %broadcast_in_dim3A_36 = vector.shape_cast %reduce_sum3A_35 : vector<512xf32> to vector<512x1xf32>
    %sub3A_37 = arith.subf %add3A, %broadcast_in_dim3A_36 : vector<512x1xf32>
    %get3A_38 = arith.constant 0 : index
    %get3A_39 = arith.constant 0 : index
    %get3A_40 = vector.load %arg4[%get3A_38, %get3A_39] : memref<512x1xi32, #tpu.memory_space<vmem>>, vector<512x1xi32>
    %jit3A_41 = arith.constant 0xFF800000 : f32
    %broadcast_in_dim3A_42 = vector.broadcast %jit3A_41 : f32 to vector<512x128xf32>
    %select_n3A_43 = arith.select %lt3A_15, %dot_general3A_13, %broadcast_in_dim3A_42 : vector<512x128xi1>, vector<512x128xf32>
    %reduce_max3A_44 = arith.constant dense<0xFF800000> : vector<512xf32>
    %reduce_max3A_45 = vector.multi_reduction <maximumf>, %select_n3A_43, %reduce_max3A_44 [1] : vector<512x128xf32> to vector<512xf32>
    %broadcast_in_dim3A_46 = vector.shape_cast %reduce_max3A_45 : vector<512xf32> to vector<512x1xf32>
    %sub3A_47 = vector.broadcast %broadcast_in_dim3A_46 : vector<512x1xf32> to vector<512x128xf32>
    %sub3A_48 = arith.subf %select_n3A_43, %sub3A_47 : vector<512x128xf32>
    %exp3A_49 = math.exp %sub3A_48 : vector<512x128xf32>
    %jit3A_50 = arith.constant 0.000000e+00 : f32
    %broadcast_in_dim3A_51 = vector.broadcast %jit3A_50 : f32 to vector<512x128xf32>
    %select_n3A_52 = arith.select %lt3A_15, %exp3A_49, %broadcast_in_dim3A_51 : vector<512x128xi1>, vector<512x128xf32>
    %reduce_sum3A_53 = arith.constant dense<0.000000e+00> : vector<512xf32>
    %reduce_sum3A_54 = vector.multi_reduction <add>, %select_n3A_52, %reduce_sum3A_53 [1] : vector<512x128xf32> to vector<512xf32>
    %broadcast_in_dim3A_55 = vector.shape_cast %reduce_sum3A_54 : vector<512xf32> to vector<512x1xf32>
    %log3A_56 = math.log %broadcast_in_dim3A_55 : vector<512x1xf32>
    %add3A_57 = arith.addf %log3A_56, %broadcast_in_dim3A_46 : vector<512x1xf32>
    %eq3A_58 = vector.broadcast %get3A_40 : vector<512x1xi32> to vector<512x128xi32>
    %eq3A_59 = arith.cmpi eq, %iota3A, %eq3A_58 : vector<512x128xi32>
    %jit3A_60 = arith.constant 0.000000e+00 : f32
    %broadcast_in_dim3A_61 = vector.broadcast %jit3A_60 : f32 to vector<512x128xf32>
    %select_n3A_62 = arith.select %eq3A_59, %dot_general3A_13, %broadcast_in_dim3A_61 : vector<512x128xi1>, vector<512x128xf32>
    %reduce_sum3A_63 = arith.constant dense<0.000000e+00> : vector<512xf32>
    %reduce_sum3A_64 = vector.multi_reduction <add>, %select_n3A_62, %reduce_sum3A_63 [1] : vector<512x128xf32> to vector<512xf32>
    %broadcast_in_dim3A_65 = vector.shape_cast %reduce_sum3A_64 : vector<512xf32> to vector<512x1xf32>
    %sub3A_66 = arith.subf %add3A_57, %broadcast_in_dim3A_65 : vector<512x1xf32>
    %mul3A = arith.mulf %sub3A_66, %get3A_18 : vector<512x1xf32>
    %reduce_sum3A_67 = vector.shape_cast %get3A_18 : vector<512x1xf32> to vector<1x512x1xf32>
    %reduce_sum3A_68 = arith.constant dense<0.000000e+00> : vector<1xf32>
    %reduce_sum3A_69 = vector.multi_reduction <add>, %reduce_sum3A_67, %reduce_sum3A_68 [1, 2] : vector<1x512x1xf32> to vector<1xf32>
    %reduce_sum3A_70 = vector.shape_cast %reduce_sum3A_69 : vector<1xf32> to vector<1x1x1xf32>
    %reduce_sum3A_71 = vector.extract %reduce_sum3A_70[0, 0, 0] : f32 from vector<1x1x1xf32>
    %add3A_72 = arith.constant 5.120000e+02 : f32
    %add3A_73 = arith.addf %add3A_72, %reduce_sum3A_71 : f32
    %reduce_sum3A_74 = vector.shape_cast %sub3A_37 : vector<512x1xf32> to vector<1x512x1xf32>
    %reduce_sum3A_75 = arith.constant dense<0.000000e+00> : vector<1xf32>
    %reduce_sum3A_76 = vector.multi_reduction <add>, %reduce_sum3A_74, %reduce_sum3A_75 [1, 2] : vector<1x512x1xf32> to vector<1xf32>
    %reduce_sum3A_77 = vector.shape_cast %reduce_sum3A_76 : vector<1xf32> to vector<1x1x1xf32>
    %reduce_sum3A_78 = vector.extract %reduce_sum3A_77[0, 0, 0] : f32 from vector<1x1x1xf32>
    %reduce_sum3A_79 = vector.shape_cast %mul3A : vector<512x1xf32> to vector<1x512x1xf32>
    %reduce_sum3A_80 = arith.constant dense<0.000000e+00> : vector<1xf32>
    %reduce_sum3A_81 = vector.multi_reduction <add>, %reduce_sum3A_79, %reduce_sum3A_80 [1, 2] : vector<1x512x1xf32> to vector<1xf32>
    %reduce_sum3A_82 = vector.shape_cast %reduce_sum3A_81 : vector<1xf32> to vector<1x1x1xf32>
    %reduce_sum3A_83 = vector.extract %reduce_sum3A_82[0, 0, 0] : f32 from vector<1x1x1xf32>
    %add3A_84 = arith.addf %reduce_sum3A_78, %reduce_sum3A_83 : f32
    %div3A = arith.divf %add3A_84, %add3A_73 : f32
    %broadcast_in_dim3A_85 = vector.broadcast %div3A : f32 to vector<1x128xf32>
    %swap3A = arith.constant 0 : index
    %swap3A_86 = arith.constant 0 : index
    %swap3A_87 = vector.load %arg6[%swap3A, %swap3A_86] : memref<1x128xf32, #tpu.memory_space<vmem>>, vector<1x128xf32>
    tpu.vector_store %arg6[%swap3A, %swap3A_86], %broadcast_in_dim3A_85 {strides = array<i32>} : memref<1x128xf32, #tpu.memory_space<vmem>>, vector<1x128xf32>,
    return
  }
}

</mosaic_0001>

<sc_bundles>
// kernel: scatter_offload_async_start.1
scs
__scs_entry_jumppad:
0x0: {  	(pc) =	sbr.rel $0x88, $3  }
0x1: {  	(tag) =	ssettag $0x0;
	lr =	simm.s32 $0x1  }
0x2: {  	[smem:$0x3F97] =	sst lr;
	_ =	strace $0xD0000000  }
0x3: {  	_ = 	snop  }
0x4: {  	_ = 	snop  }
0x5: {  	_ = 	snop  }
0x6: {  	_ = 	snop  }
0x7: {  	_ = 	snop  }
__scs_overlays_trampoline_lowered:
0x8: {  	[smem:$0x3FA6] =	sst s0  }
0x9: {  	[smem:$0x3FA7] =	sst s1  }
0xa: {  	[smem:$0x3FA8] =	sst s2  }
0xb: {  	[smem:$0x3FA9] =	sst s3  }
0xc: {  	[smem:$0x3FAA] =	sst s4  }
0xd: {  	[smem:$0x3FAB] =	sst s5  }
0xe: {  	[smem:$0x3FAC] =	sst s6  }
0xf: {  	[smem:$0x3FAD] =	sst s7  }
0x10: {  	[smem:$0x3FAE] =	sst s8  }
0x11: {  	[smem:$0x3FAF] =	sst s9;
	s0 =	simm.s32 @!p0 $0x0  }
0x12: {  	s1 =	sld [smem:$0x3F95];
	s0 =	simm.s32 @p0 $0x1  }
0x13: {  	[smem:$0x3FB0] =	sst s0;
	s0 =	simm.s32 @!p1 $0x0  }
0x14: {  	s2 =	sld [smem:$0x3F94];
	s0 =	simm.s32 @p1 $0x1  }
0x15: {  	[smem:$0x3FB1] =	sst s0;
	s0 =	simm.s32 @!p2 $0x0  }
0x16: {  	s3 =	sld [smem:$0x3FDB];
	s0 =	simm.s32 @p2 $0x1  }
0x17: {  	s4 =	simm.s32 $0x1BF5;
	[smem:$0x3FB3] =	sst s0  }
0x18: {  	s0 =	sld [smem:$0x3F96];
	_ =	swait.ge [sflag:s4], $0x0  }
0x19: {  	s7 =	sld [smem:$0x3F97]  }
0x1a: {  	s8 =	sadd.s32 $0xFFFFE003, lr  }
0x1b: {  	s9 =	sadd.s32 $0xFFFFFEF7, lr;
	s5 =	simm.s32 $0xFFFFFFFF;
	p2 =	slt.u32 s8, $0xFFFFF086  }
0x1c: {  	p1 =	slt.u32 s9, $0xF7A;
	s5 =	simm.s32 @!p2 $0x0  }
0x1d: {  	s5 =	simm.s32 @p1 $0x1;
	p0 =	seq.s32 s7, s2  }
0x1e: {  	s7 =	smul.u32 @!p0 $0xF7A, s2;
	p2 =	seq.s32 @!p0 s5, $0x0  }
0x1f: {  	s9 =	smul.u32 $0xF7A, s1;
	s8 =	simm.s32 @!p0 $0x1BF5;
	p2 =	por !p2, p0  }
0x20: {  	[sflag:s8] =	ssyncset.s32 @!p0 $0xFFFFF086;
	s6 =	sadd.s32 @!p0 s3, s7;
	s7 =	simm.s32 @!p0 $0x108  }
0x21: {  	s3 =	sadd.s32 s3, s9;
	s6 =	sadd.s32 @!p0 $0x88, s6;
	s7 =	simm.s32 @p2 $0x1082  }
0x22: {  	[simem:s7], [sflag:s8] =	dma.local @!p0 [hbm:s6], $0xF7A  }
0x23: {  	s9 =	sor.u32 $0xD0000000, s2;
	s6 =	simm.s32 $0x108;
	_ =	swait.ge @!p0 [sflag:s8], $0x0  }
0x24: {  	s3 =	sadd.s32 $0x88, s3;
	s6 =	simm.s32 @!p1 $0x1082;
	[sflag:s4] =	ssyncset.s32 $0xFFFFF086  }
0x25: {  	[simem:s6], [sflag:s4] =	dma.local [hbm:s3], $0xF7A  }
0x26: {  	[smem:$0x3F97] =	sst s1;
	(tag) =	ssettag s2;
	_ =	strace s9  }
0x27: {  	s1 =	sld [smem:$0x3FA7]  }
0x28: {  	s2 =	sld [smem:$0x3FA8]  }
0x29: {  	s4 =	sld [smem:$0x3FAA]  }
0x2a: {  	p0 =	seq.s32 s5, $0x0;
	s5 =	sld [smem:$0x3FAB]  }
0x2b: {  	s6 =	sld [smem:$0x3FAC]  }
0x2c: {  	s7 =	sld [smem:$0x3FAD]  }
0x2d: {  	s3 =	simm.s32 $0x108;
	s8 =	sld [smem:$0x3FAE]  }
0x2e: {  	s3 =	simm.s32 @!p0 $0x1082;
	s9 =	sld [smem:$0x3FAF]  }
0x2f: {  	lr =	sadd.s32 s0, s3;
	s0 =	sld [smem:$0x3FA6]  }
0x30: {  	s3 =	sld [smem:$0x3FA9]  }
0x31: {  	[smem:$0x3FB2] =	sst s10  }
0x32: {  	s10 =	sld [smem:$0x3FB0];
	_ =	sdelay $0x3  }
0x33: {  	p0 =	seq.s32 s10, $0x1;
	s10 =	sld [smem:$0x3FB2];
	_ =	sdelay $0x3  }
0x34: {  	[smem:$0x3FB2] =	sst s10  }
0x35: {  	s10 =	sld [smem:$0x3FB1];
	_ =	sdelay $0x3  }
0x36: {  	p1 =	seq.s32 s10, $0x1;
	s10 =	sld [smem:$0x3FB2];
	_ =	sdelay $0x3  }
0x37: {  	[smem:$0x3FB2] =	sst s10  }
0x38: {  	s10 =	sld [smem:$0x3FB3]  }
0x39: {  	_ = 	snop;
	(pc) =	sbr.ind lr, $3  }
0x3a: {  	_ = 	snop  }
0x3b: {  	_ = 	snop  }
0x3c: {  	p2 =	seq.s32 s10, $0x1;
	s10 =	sld [smem:$0x3FB2]  }
0x3d: {  	_ =	shalt  }
0x3e: {  	_ =	shalt  }
0x3f: {  	_ =	shalt  }
0x40: {  	_ =	shalt  }
0x41: {  	_ =	shalt  }
0x42: {  	_ =	shalt  }
0x43: {  	_ =	shalt  }
0x44: {  	_ =	shalt  }
0x45: {  	_ =	shalt  }
0x46: {  	_ =	shalt  }
0x47: {  	_ =	shalt  }
0x48: {  	_ =	shalt  }
0x49: {  	_ =	shalt  }
0x4a: {  	_ =	shalt  }
0x4b: {  	_ =	shalt  }
0x4c: {  	_ =	shalt  }
0x4d: {  	_ =	shalt  }
0x4e: {  	_ =	shalt  }
0x4f: {  	_ =	shalt  }
0x50: {  	_ =	shalt  }
0x51: {  	_ =	shalt  }
0x52: {  	_ =	shalt  }
0x53: {  	_ =	shalt  }
0x54: {  	_ =	shalt  }
0x55: {  	_ =	shalt  }
0x56: {  	_ =	shalt  }
0x57: {  	_ =	shalt  }
0x58: {  	_ =	shalt  }
0x59: {  	_ =	shalt  }
0x5a: {  	_ =	shalt  }
0x5b: {  	_ =	shalt  }
0x5c: {  	_ =	shalt  }
0x5d: {  	_ =	shalt  }
0x5e: {  	_ =	shalt  }
0x5f: {  	_ =	shalt  }
0x60: {  	_ =	shalt  }
0x61: {  	_ =	shalt  }
0x62: {  	_ =	shalt  }
0x63: {  	_ =	shalt  }
0x64: {  	_ =	shalt  }
0x65: {  	_ =	shalt  }
0x66: {  	_ =	shalt  }
0x67: {  	_ =	shalt  }
0x68: {  	_ =	shalt  }
0x69: {  	_ =	shalt  }
0x6a: {  	_ =	shalt  }
0x6b: {  	_ =	shalt  }
0x6c: {  	_ =	shalt  }
0x6d: {  	_ =	shalt  }
0x6e: {  	_ =	shalt  }
0x6f: {  	_ =	shalt  }
0x70: {  	_ =	shalt  }
0x71: {  	_ =	shalt  }
0x72: {  	_ =	shalt  }
0x73: {  	_ =	shalt  }
0x74: {  	_ =	shalt  }
0x75: {  	_ =	shalt  }
0x76: {  	_ =	shalt  }
0x77: {  	_ =	shalt  }
0x78: {  	_ =	shalt  }
0x79: {  	_ =	shalt  }
0x7a: {  	_ =	shalt  }
0x7b: {  	_ =	shalt  }
0x7c: {  	_ =	shalt  }
0x7d: {  	_ =	shalt  }
0x7e: {  	_ =	shalt  }
0x7f: {  	_ =	shalt  }
0x80: {  	_ =	shalt  }
0x81: {  	_ =	shalt  }
0x82: {  	_ =	shalt  }
0x83: {  	_ =	shalt  }
0x84: {  	_ =	shalt  }
0x85: {  	_ =	shalt  }
0x86: {  	_ =	shalt  }
0x87: {  	_ =	shalt  }
.Lfunc_end0:
.L_simem_size_0:
called_computation.1_lowered:
.L_overlay_start_0:
0x88: {  	s0 =	sld [smem:$0x3FD9]  }
0x89: {  	s1 =	sld [smem:$0x3FFE];
	_ =	sdelay $0x3  }
0x8a: {  	s0 =	sadd.s32 s1, s0  }
0x8b: {  	[smem:$0x3FBE] =	sst s0  }
0x8c: {  	_ = 	snop  }
0x8d: {  	(tm) =	ssettm $0x1  }
0x8e: {  	s14 =	sld [smem:$0x3FFB];
	_ =	sdelay $0x3  }
0x8f: {  	_ =	strace s14  }
0x90: {  	s0 =	sld [smem:$0x3FFC];
	_ =	sdelay $0x3  }
0x91: {  	_ =	strace s0  }
0x92: {  	s0 =	sld [smem:$0x3FFD];
	_ =	sdelay $0x3  }
0x93: {  	_ =	strace s0  }
0x94: {  	_ =	strace $0x8FFFFFFF  }
0x95: {  	s15 =	sld [smem:$0x3FDB];
	_ =	sdelay $0x1  }
0x96: {  	s16 =	simm.s32 $_scs_section_size  }
0x97: {  	s2 =	simm.s32 $_size__tile_overlayer_lowered;
	s3 =	simm.s32 $_tile_overlayer_lowered  }
0x98: {  	s4 =	simm.s32 $0x1BFF;
	s17 =	sshll.u32 s3, $0x1;
	s1 =	sadd.s32 s16, s15  }
0x99: {  	s18 =	simm.s32 $0x0;
	s2 =	sshll.u32 s2, $0x1;
	s3 =	sadd.s32 s17, s1  }
0x9a: {  	[timem:s18], [sflag:s4] =	dma.local [hbm:s3], s2  }
0x9b: {  	_ =	swait.ge [sflag:s4], s2  }
0x9c: {  	s2 =	ssub.s32 $0x0, s2;
	[sflag:s4] =	ssyncset.done $0x0  }
0x9d: {  	[sflag:s4] =	ssyncadd.s32 s2;
	_ =	sdelay $0x1  }
0x9e: {  	s19 =	simm.s32 $0x1B8B  }
0x9f: {  	_ =	swait.ge [sflag:s19], $0x1  }
0xa0: {  	[sflag:s19] =	ssyncset.done $0x0  }
0xa1: {  	s21 =	simm.s32 $0x1B8E;
	s20 =	sld [smem:$0x3FFE];
	[sflag:s19] =	ssyncadd.s32 $0xFFFFFFFF  }
0xa2: {  	s22 =	simm.s32 $execute0_lowered;
	[smem:$0x3FD2] =	sst s21  }
0xa3: {  	s3 =	sshll.u32 s22, $0x1;
	_ =	strace $0x80000046;
	[dreg:$0x1] =	wrdreg $0xFFFFFFFF  }
0xa4: {  	s23 =	simm.s32 $_size_execute0_lowered;
	s3 =	sadd.s32 s1, s3;
	[dreg:$0x0] =	wrdreg $0x0  }
0xa5: {  	s4 =	sshll.u32 s23, $0x1;
	[dreg:$0x2] =	wrdreg s3  }
0xa6: {  	[dreg:$0x3] =	wrdreg s4  }
0xa7: {  	[dreg:$0x4] =	wrdreg $0xC0  }
0xa8: {  	s24 =	simm.s32 $execute1_lowered;
	_ =	task [dreg:s18], $0x5FFFF  }
0xa9: {  	s3 =	sshll.u32 s24, $0x1;
	[dreg:$0x1] =	wrdreg $0xFFFFFFFF  }
0xaa: {  	s1 =	sadd.s32 s1, s3;
	[dreg:$0x0] =	wrdreg $0x60  }
0xab: {  	[dreg:$0x2] =	wrdreg s1  }
0xac: {  	[dreg:$0x3] =	wrdreg s20  }
0xad: {  	[dreg:$0x4] =	wrdreg $0x9  }
0xae: {  	_ =	task.clear_ibuf [dreg:s18], $0x5FFFF;
	_ =	strace $0x90000046  }
0xaf: {  	s25 =	simm.s32 $0x9;
	_ =	strace $0x80000048  }
0xb0: {  	_ =	swait.ge [sflag:s25], $0x1  }
0xb1: {  	[sflag:s25] =	ssyncadd.s32 $0xFFFFFFFF  }
0xb2: {  	_ =	strace $0x90000048  }
0xb3: {  	_ =	strace $0x80000049;
	[dreg:$0x1] =	wrdreg $0xFFFFFFFF  }
0xb4: {  	[dreg:$0x0] =	wrdreg $0x2030  }
0xb5: {  	[dreg:$0x2] =	wrdreg s20  }
0xb6: {  	[dreg:$0x3] =	wrdreg $0xA  }
0xb7: {  	_ =	task.clear_ibuf [dreg:s18], $0x4FFFF;
	_ =	strace $0x90000049  }
0xb8: {  	s26 =	simm.s32 $0xA;
	_ =	strace $0x8000004B  }
0xb9: {  	_ =	swait.ge [sflag:s26], $0x1  }
0xba: {  	[sflag:s26] =	ssyncadd.s32 $0xFFFFFFFF  }
0xbb: {  	_ =	strace $0x9000004B  }
0xbc: {  	_ =	sfence  }
0xbd: {  	s28 =	sld [smem:$0x0];
	_ =	sdelay $0x1  }
0xbe: {  	s29 =	srdreg.scid  }
0xbf: {  	s30 =	sshll.u32 s29, $0xD;
	s31 =	sshrl.u32 s29, $0x2  }
0xc0: {  	s2 =	sand.u32 $0x1, s29;
	s3 =	sand.u32 $0x4000, s30;
	s1 =	sadd.s32 s31, s28  }
0xc1: {  	s2 =	sor.u32 s3, s2;
	s1 =	sshll.u32 s1, $0x11  }
0xc2: {  	s1 =	sor.u32 s1, s2  }
0xc3: {  	s1 =	sadd.s32 $0x8F2B, s1  }
0xc4: {  	[sflag:s1] =	ssyncadd.remote.s32 $0x1  }
0xc5: {  	_ =	sfence.sel $0xFFFF  }
0xc6: {  	[dreg:$0x0] =	wrdreg $0xFFFFFFFF;
	(pc) =	sbr.abs _section_cstart, $3  }
0xc7: {  	[dreg:$0x1] =	wrdreg $0xFFFFFFFF  }
0xc8: {  	_ =	task.clear_ibuf [dreg:s18], $0x2FFFF;
	_ =	strace $0x9FFFFFFF  }
0xc9: {  	(tm) =	ssettm $0x7FFFFFFF  }
tec
execute0_lowered:
.L_overlay_start_1:
0x0: {  	(tag) =	ssettag $0x1  }
0x1: {  	s2 =	rddreg [dreg:$0x0]  }
0x2: {  	s3 =	rddreg [dreg:$0x1]  }
0x3: {  	s0 =	rddreg [dreg:$0x2];
	s5 =	stileid.u32  }
0x4: {  	[bflag:$0x3] =	sbarrier.arrive $0xFFFF;
	s1 =	simm.s32 $_size_execute1_lowered;
	p0 =	sne.s32 s5, $0x0  }
0x5: {  	s1 =	sshll.u32 s1, $0x1;
	s4 =	simm.s32 @!p0 $0x1C3F;
	s6 =	simm.s32 @!p0 $0x4060  }
0x6: {  	[timem:s6], [sflag:s4] =	dma.local @!p0 [hbm:s2], s1  }
0x7: {  	s4 =	sshll.u32 s5, $0x5  }
0x8: {  	s30 =	ssub.s32 $0x200, s4  }
0x9: {  	s31 =	sand.u32 $0x1E0, s30  }
0xa: {  	s8 =	simm.s32 $0x1;
	p1 =	sne.s32 s31, $0x0  }
0xb: {  	s6 =	sshrl.u32 s30, $0x9;
	s8 =	simm.s32 @!p1 $0x0  }
0xc: {  	s8 =	sadd.s32 s8, s6  }
0xd: {  	s10 =	sadd.s32 $0x1, s8  }
0xe: {  	p1 =	sne.s32 s10, $0x0  }
.Ltmp0:
0xf: {  	s9 =	simm.s32 $0x0;
	s29 =	sshll.u32 s5, $0x2;
	(pc) =	sbr.rel @!p1 .LBB2_1-.Ltmp0, $4  }
0x10: {  	s14 =	simm.s32 $0xFFFFFFFF;
	p3 =	por $0x0, $0x0;
	s7 =	sadd.s32 s29, s3  }
0x11: {  	s5 =	sadd.s32 $0x40E00, s3;
	s2 =	simm.s32 $0x1;
	_ =	strace $0x80000047  }
0x12: {  	s3 =	simm.s32 $0x2;
	s7 =	sadd.s32 $0x40A00, s7;
	[sflag:s2] =	ssyncpa.u1 $0x0  }
0x13: {  	[sflag:s3] =	ssyncpa.u1 $0x0;
	s6 =	simm.s32 $0x1;
	p2 =	sle.u32 s8, $0x0  }
0x14: {  	s11 =	sxor.u32 @!p2 $0xFFFFFFFF, s9;
	p1 =	sle.u32 s8, $0xFFFFFFFF  }
0x15: {  	s12 =	simm.s32 @!p2 $0x0;
	s11 =	sand.u32 @!p2 $0x20, s11;
	s13 =	simm.s32 @!p1 $0x1  }
0x16: {  	[tilespmem:s11], [sflag:$0x1] =	stream.linear.gather @!p2 [hbm4b:s7+s12], $0x20, $0x38;
	[tilespmem:$0x80] =	vst v63  }
0x17: {  	_ =	swait.ge @!p1 [sflag:s13], $0x20  }
0x18: {  	[sflag:s13] =	ssyncset.done @!p1 $0x0  }
0x19: {  	s12 =	sand.u32 @!p1 $0x20, s9;
	[sflag:s13] =	ssyncadd.s32 @!p1 $0xFFFFFFE0  }
0x1a: {  	p5 =	sne.s32 s10, $0x1;
	v1 =	vld @!p1 [tilespmem:s12+$0x10]  }
.Ltmp1:
0x1b: {  	v0 =	vld @!p1 [tilespmem:s12+$0x0];
	(pc) =	sbr.rel @!p5 .LBB2_4-.Ltmp1, $4  }
0x1c: {  	s15 =	simm.s32 $0x2  }
0x1d: {  	s14 =	simm.s32 $0x0;
	p4 =	por $0x1, $0x1;
	p3 =	por $0x1, $0x1  }
0x1e: {  	s16 =	simm.s32 @!p1 $0x0;
	s9 =	sshrl.u32 @!p1 s4, $0x3;
	p2 =	sle.u32 s8, $0x1  }
0x1f: {  	s11 =	sadd.s32 @!p1 s5, s9;
	s9 =	simm.s32 $0x20;
	s13 =	sor.u32 @!p1 $0x40, s12;
	[tilespmem:s12+$0x50] =	vst @!p1 v1  }
.LBB2_3:
0x20: {  	s17 =	sxor.u32 @!p2 $0xFFFFFFFF, s9;
	[tilespmem:s12+$0x40] =	vst @!p1 v0;
	s12 =	simm.s32 @!p4 $0x2  }
0x21: {  	s18 =	smov.u32 s6;
	s6 =	smov.u32 s15;
	s19 =	sadd.s32 $0x1, s15  }
0x22: {  	[hbm4b:s11+s16] =	stream.linear.scatter @!p1 [tilespmem:s13], [sflag:$0x2], $0x20, $0x38;
	[tilespmem:$0x80] =	vst v63  }
0x23: {  	s13 =	sand.u32 @!p2 $0x20, s17;
	p1 =	sge.u32 s14, s8;
	_ =	swait.ge @!p4 [sflag:s12], $0x20  }
0x24: {  	s14 =	simm.s32 @!p1 $0x1;
	s11 =	sshrl.u32 @!p1 s4, $0x3;
	[sflag:s12] =	ssyncset.done @!p4 $0x0  }
0x25: {  	s16 =	simm.s32 @!p2 $0x0;
	s11 =	sadd.s32 @!p1 s5, s11;
	[sflag:s12] =	ssyncadd.s32 @!p4 $0xFFFFFFE0  }
0x26: {  	[tilespmem:s13], [sflag:$0x1] =	stream.linear.gather @!p2 [hbm4b:s7+s16], $0x20, $0x38;
	[tilespmem:$0x80] =	vst v63  }
0x27: {  	p5 =	sne.s32 s15, s10;
	_ =	swait.ge @!p1 [sflag:s14], $0x20  }
0x28: {  	s12 =	sand.u32 @!p1 $0x20, s9;
	[sflag:s14] =	ssyncset.done @!p1 $0x0  }
0x29: {  	s13 =	sor.u32 @!p1 $0x40, s12;
	[sflag:s14] =	ssyncadd.s32 @!p1 $0xFFFFFFE0  }
0x2a: {  	v1 =	vld @!p1 [tilespmem:s12+$0x10]  }
.Ltmp2:
0x2b: {  	v0 =	vld @!p1 [tilespmem:s12+$0x0];
	(pc) =	sbr.rel @p5 .LBB2_3-.Ltmp2, $3  }
0x2c: {  	_ =	sdelay $0x1  }
0x2d: {  	s15 =	smov.u32 s19;
	s9 =	sadd.s32 $0x20, s9;
	s16 =	simm.s32 @!p1 $0x0  }
0x2e: {  	p4 =	slt.u32 s18, $0x2;
	p2 =	sge.u32 s6, s8;
	s14 =	sadd.s32 $0xFFFFFFFF, s6;
	[tilespmem:s12+$0x50] =	vst @!p1 v1  }
.LBB2_4:
0x2f: {  	p1 =	por p1, !p3;
	p3 =	por p4, !p3  }
0x30: {  	[tilespmem:s12+$0x40] =	vst @!p1 v0;
	s10 =	simm.s32 @!p3 $0x2  }
0x31: {  	[hbm4b:s11+s16] =	stream.linear.scatter @!p1 [tilespmem:s13], [sflag:$0x2], $0x20, $0x38;
	[tilespmem:$0x80] =	vst v63  }
0x32: {  	s12 =	simm.s32 @!p2 $0x0;
	_ =	swait.ge @!p3 [sflag:s10], $0x20  }
0x33: {  	s11 =	sxor.u32 @!p2 $0xFFFFFFFF, s9;
	p1 =	sge.u32 s14, s8;
	[sflag:s10] =	ssyncset.done @!p3 $0x0  }
0x34: {  	s11 =	sand.u32 @!p2 $0x20, s11;
	s8 =	simm.s32 @!p1 $0x1;
	[sflag:s10] =	ssyncadd.s32 @!p3 $0xFFFFFFE0  }
0x35: {  	[tilespmem:s11], [sflag:$0x1] =	stream.linear.gather @!p2 [hbm4b:s7+s12], $0x20, $0x38;
	[tilespmem:$0x80] =	vst v63  }
0x36: {  	_ =	swait.ge @!p1 [sflag:s8], $0x20  }
0x37: {  	[sflag:s8] =	ssyncset.done @!p1 $0x0  }
0x38: {  	s7 =	sand.u32 @!p1 $0x20, s9;
	[sflag:s8] =	ssyncadd.s32 @!p1 $0xFFFFFFE0  }
0x39: {  	v0 =	vld @!p1 [tilespmem:s7+$0x10]  }
0x3a: {  	v1 =	vld @!p1 [tilespmem:s7+$0x0];
	_ =	sdelay $0x2  }
0x3b: {  	s4 =	sshrl.u32 @!p1 s4, $0x3  }
0x3c: {  	s4 =	sadd.s32 @!p1 s5, s4;
	p2 =	slt.u32 s6, $0x2;
	[tilespmem:s7+$0x50] =	vst @!p1 v0  }
0x3d: {  	s6 =	simm.s32 @!p1 $0x0;
	s5 =	sor.u32 @!p1 $0x40, s7;
	[tilespmem:s7+$0x40] =	vst @!p1 v1;
	s7 =	simm.s32 @!p2 $0x2  }
0x3e: {  	[hbm4b:s4+s6] =	stream.linear.scatter @!p1 [tilespmem:s5], [sflag:$0x2], $0x20, $0x38;
	[tilespmem:$0x80] =	vst v63  }
0x3f: {  	_ =	swait.ge @!p2 [sflag:s7], $0x20  }
0x40: {  	[sflag:s7] =	ssyncset.done @!p2 $0x0  }
0x41: {  	[sflag:s7] =	ssyncadd.s32 @!p2 $0xFFFFFFE0  }
0x42: {  	_ =	sfence.sel $0x180000  }
0x43: {  	[bflag:$0x0] =	sbarrier.arrive $0xFFFF  }
0x44: {  	[sflag:s2] =	ssyncpa.u1 $0x1  }
0x45: {  	[sflag:s3] =	ssyncpa.u1 $0x1  }
0x46: {  	_ =	strace $0x90000047  }
0x47: {  	s0 =	sadd.s32 @!p0 $0x100000, s0;
	[bflag:$0x2] =	sbarrier.arrive $0xFFFF  }
0x48: {  	[sflag:s0] =	ssyncadd.tile.s32 @!p0 $0x1;
	s0 =	simm.s32 @!p0 $0x3F  }
0x49: {  	_ =	swait.ge @!p0 [sflag:s0], s1  }
0x4a: {  	s1 =	ssub.s32 @!p0 $0x0, s1;
	[sflag:s0] =	ssyncset.done @!p0 $0x0  }
0x4b: {  	[sflag:s0] =	ssyncadd.s32 @!p0 s1  }
0x4c: {  	[bflag:$0x3] =	sbarrier.arrive $0xFFFF  }
0x4d: {  	_ =	shalt  }
.LBB2_1:
.Ltmp3:
0x4e: {  	(pc) =	sbr.rel .LBB2_4-.Ltmp3, $2  }
0x4f: {  	_ =	sdelay $0x2  }
0x50: {  	s6 =	simm.s32 $0x0  }
.Lfunc_end2:
execute1_lowered:
.L_overlay_start_2:
0x51: {  	(tag) =	ssettag $0x2  }
0x52: {  	s1 =	rddreg [dreg:$0x0]  }
0x53: {  	s0 =	rddreg [dreg:$0x1];
	_ =	strace $0x8000004A;
	s2 =	stileid.u32  }
0x54: {  	s4 =	simm.s32 $0x3E;
	s3 =	sadd.s32 $0x40E00, s1;
	p0 =	sne.s32 s2, $0x0  }
0x55: {  	[sflag:s4] =	ssyncpa.u1 $0x0;
	s5 =	simm.s32 @!p0 $0x1C3E;
	s6 =	simm.s32 @!p0 $0x0  }
0x56: {  	[spmem:s6], [sflag:s5] =	dma.local @!p0 [hbm:s3], $0x40  }
0x57: {  	s5 =	simm.s32 @!p0 $0x3E  }
0x58: {  	_ =	swait.ge @!p0 [sflag:s5], $0x40  }
0x59: {  	[sflag:s5] =	ssyncset.done @!p0 $0x0  }
0x5a: {  	s25 =	simm.s32 $0x1;
	[sflag:s5] =	ssyncadd.s32 @!p0 $0xFFFFFFC0  }
0x5b: {  	s7 =	simm.s32 $0x2;
	s8 =	simm.s32 $0x0;
	[bflag:$0x0] =	sbarrier.arrive $0xFFFF  }
0x5c: {  	s9 =	simm.s32 $0x40;
	s26 =	sadd.s32 $0x200, s1;
	[sflag:s4] =	ssyncpa.u1 $0x1  }
0x5d: {  	s1 =	sadd.s32 $0x40C00, s1;
	s2 =	sshll.u32 s2, $0x2;
	[sflag:s25] =	ssyncpa.u1 $0x0  }
0x5e: {  	s5 =	sadd.s32 s26, s2;
	(ifvalue) =	ssetifvalue $0x200;
	[sflag:s7] =	ssyncpa.u1 $0x0  }
0x5f: {  	[tilespmem:s9], [sflag:$0x2] =	stream.linear.gather [hbm4b:s5+s8], $0x20, $0x38;
	[tilespmem:$0xA0] =	vst v63  }
0x60: {  	s28 =	simm.s32 $0x80;
	s1 =	sadd.s32 s1, s2  }
0x61: {  	[tilespmem:s28], [sflag:$0x2] =	stream.linear.gather [hbm4b:s1+s8], $0x20, $0x38;
	[tilespmem:$0xA0] =	vst v63  }
0x62: {  	_ =	swait.ge [sflag:s7], $0x40  }
0x63: {  	[sflag:s7] =	ssyncset.done $0x0  }
0x64: {  	[sflag:s7] =	ssyncadd.s32 $0xFFFFFFC0  }
0x65: {  	v0 =	vld.msk [tilespmem:s9+$0x0 ss:$0x1], $0xffff;
	_ =	sdelay $0x4  }
0x66: {  	v0 =	vmin.u32 v0, $0x200;
	_ =	sdelay $0x3  }
0x67: {  	vm0 =	vmmov $0xffff;
	s29 =	simm.s32 $0x50  }
0x68: {  	[spmem:s8] =	stream.indirect_vreg.scatter.add.s32 [tilespmem:s28], [sflag:$0x1], $0x1, v0, vm0, $0x4038;
	[tilespmem:$0xA0] =	vst v63  }
0x69: {  	v0 =	vld.msk [tilespmem:s29+$0x0 ss:$0x1], $0xffff;
	_ =	sdelay $0x4  }
0x6a: {  	v0 =	vmin.u32 v0, $0x200;
	_ =	sdelay $0x3  }
0x6b: {  	s30 =	simm.s32 $0x90  }
0x6c: {  	[spmem:s8] =	stream.indirect_vreg.scatter.add.s32 [tilespmem:s30], [sflag:$0x1], $0x1, v0, vm0, $0x4038;
	[tilespmem:$0xA0] =	vst v63  }
0x6d: {  	_ =	swait.ge [sflag:s25], $0x20  }
0x6e: {  	[sflag:s25] =	ssyncset.done $0x0  }
0x6f: {  	[sflag:s25] =	ssyncadd.s32 $0xFFFFFFE0  }
0x70: {  	_ =	sfence.sel $0x180000  }
0x71: {  	[bflag:$0x0] =	sbarrier.arrive $0xFFFF  }
0x72: {  	[sflag:s7] =	ssyncpa.u1 $0x1  }
0x73: {  	[sflag:s25] =	ssyncpa.u1 $0x1  }
0x74: {  	_ =	sfence.stream.spmem  }
0x75: {  	s31 =	simm.s32 $0x3D;
	[bflag:$0x0] =	sbarrier.arrive $0xFFFF  }
0x76: {  	s1 =	simm.s32 @p0 $0x3D;
	[sflag:s31] =	ssyncpa.u1 $0x0  }
0x77: {  	[sflag:s1] =	ssyncpa.u1 @p0 $0x1  }
0x78: {  	[bflag:$0x0] =	sbarrier.arrive @p0 $0xFFFF  }
0x79: {  	_ =	strace @p0 $0x9000004A  }
0x7a: {  	s1 =	simm.s32 @!p0 $0x1C3D;
	[bflag:$0x2] =	sbarrier.arrive @p0 $0xFFFF  }
0x7b: {  	[hbm:s3], [sflag:s1] =	dma.local @!p0 [spmem:s6], $0x40  }
0x7c: {  	s1 =	simm.s32 @!p0 $0x3D  }
0x7d: {  	_ =	swait.ge @!p0 [sflag:s1], $0x40  }
0x7e: {  	[sflag:s1] =	ssyncset.done @!p0 $0x0  }
0x7f: {  	[sflag:s1] =	ssyncadd.s32 @!p0 $0xFFFFFFC0  }
0x80: {  	[sflag:s1] =	ssyncpa.u1 @!p0 $0x1  }
0x81: {  	[bflag:$0x0] =	sbarrier.arrive @!p0 $0xFFFF  }
0x82: {  	_ =	strace @!p0 $0x9000004A  }
0x83: {  	s0 =	sadd.s32 @!p0 $0x100000, s0;
	[bflag:$0x2] =	sbarrier.arrive @!p0 $0xFFFF  }
0x84: {  	[sflag:s0] =	ssyncadd.tile.s32 @!p0 $0x1;
	_ =	shalt  }
.Lfunc_end3:
_tile_overlayer_lowered:
.L_overlay_start_3:
0x85: {  	(tag) =	ssettag $0x3  }
0x86: {  	s0 =	rddreg [dreg:$0x0];
	s2 =	stileid.u32  }
0x87: {  	s1 =	rddreg [dreg:$0x1];
	p0 =	sne.s32 s2, $0x0  }
0x88: {  	s3 =	rddreg [dreg:$0x2];
	[bflag:$0x3] =	sbarrier.arrive $0xFFFF;
	s2 =	simm.s32 @!p0 $0x1C01  }
0x89: {  	[timem:s3], [sflag:s2] =	dma.local @!p0 [hbm:s0], s1  }
0x8a: {  	s0 =	simm.s32 @!p0 $0x1  }
0x8b: {  	_ =	swait.ge @!p0 [sflag:s0], s1  }
0x8c: {  	s1 =	ssub.s32 @!p0 $0x0, s1;
	[sflag:s0] =	ssyncset.done @!p0 $0x0  }
0x8d: {  	[sflag:s0] =	ssyncadd.s32 @!p0 s1  }
0x8e: {  	[bflag:$0x3] =	sbarrier.arrive $0xFFFF  }
0x8f: {  	_ =	shalt  }

// kernel: scatter_offload_async_start.2
scs
__scs_entry_jumppad:
0x0: {  	(pc) =	sbr.rel $0x88, $3  }
0x1: {  	(tag) =	ssettag $0x0;
	lr =	simm.s32 $0x1  }
0x2: {  	[smem:$0x3F97] =	sst lr;
	_ =	strace $0xD0000000  }
0x3: {  	_ = 	snop  }
0x4: {  	_ = 	snop  }
0x5: {  	_ = 	snop  }
0x6: {  	_ = 	snop  }
0x7: {  	_ = 	snop  }
__scs_overlays_trampoline_lowered:
0x8: {  	[smem:$0x3FA6] =	sst s0  }
0x9: {  	[smem:$0x3FA7] =	sst s1  }
0xa: {  	[smem:$0x3FA8] =	sst s2  }
0xb: {  	[smem:$0x3FA9] =	sst s3  }
0xc: {  	[smem:$0x3FAA] =	sst s4  }
0xd: {  	[smem:$0x3FAB] =	sst s5  }
0xe: {  	[smem:$0x3FAC] =	sst s6  }
0xf: {  	[smem:$0x3FAD] =	sst s7  }
0x10: {  	[smem:$0x3FAE] =	sst s8  }
0x11: {  	[smem:$0x3FAF] =	sst s9;
	s0 =	simm.s32 @!p0 $0x0  }
0x12: {  	s1 =	sld [smem:$0x3F95];
	s0 =	simm.s32 @p0 $0x1  }
0x13: {  	[smem:$0x3FB0] =	sst s0;
	s0 =	simm.s32 @!p1 $0x0  }
0x14: {  	s2 =	sld [smem:$0x3F94];
	s0 =	simm.s32 @p1 $0x1  }
0x15: {  	[smem:$0x3FB1] =	sst s0;
	s0 =	simm.s32 @!p2 $0x0  }
0x16: {  	s3 =	sld [smem:$0x3FDB];
	s0 =	simm.s32 @p2 $0x1  }
0x17: {  	s4 =	simm.s32 $0x1BF5;
	[smem:$0x3FB3] =	sst s0  }
0x18: {  	s0 =	sld [smem:$0x3F96];
	_ =	swait.ge [sflag:s4], $0x0  }
0x19: {  	s7 =	sld [smem:$0x3F97]  }
0x1a: {  	s8 =	sadd.s32 $0xFFFFE003, lr  }
0x1b: {  	s9 =	sadd.s32 $0xFFFFFEF7, lr;
	s5 =	simm.s32 $0xFFFFFFFF;
	p2 =	slt.u32 s8, $0xFFFFF086  }
0x1c: {  	p1 =	slt.u32 s9, $0xF7A;
	s5 =	simm.s32 @!p2 $0x0  }
0x1d: {  	s5 =	simm.s32 @p1 $0x1;
	p0 =	seq.s32 s7, s2  }
0x1e: {  	s7 =	smul.u32 @!p0 $0xF7A, s2;
	p2 =	seq.s32 @!p0 s5, $0x0  }
0x1f: {  	s9 =	smul.u32 $0xF7A, s1;
	s8 =	simm.s32 @!p0 $0x1BF5;
	p2 =	por !p2, p0  }
0x20: {  	[sflag:s8] =	ssyncset.s32 @!p0 $0xFFFFF086;
	s6 =	sadd.s32 @!p0 s3, s7;
	s7 =	simm.s32 @!p0 $0x108  }
0x21: {  	s3 =	sadd.s32 s3, s9;
	s6 =	sadd.s32 @!p0 $0x88, s6;
	s7 =	simm.s32 @p2 $0x1082  }
0x22: {  	[simem:s7], [sflag:s8] =	dma.local @!p0 [hbm:s6], $0xF7A  }
0x23: {  	s9 =	sor.u32 $0xD0000000, s2;
	s6 =	simm.s32 $0x108;
	_ =	swait.ge @!p0 [sflag:s8], $0x0  }
0x24: {  	s3 =	sadd.s32 $0x88, s3;
	s6 =	simm.s32 @!p1 $0x1082;
	[sflag:s4] =	ssyncset.s32 $0xFFFFF086  }
0x25: {  	[simem:s6], [sflag:s4] =	dma.local [hbm:s3], $0xF7A  }
0x26: {  	[smem:$0x3F97] =	sst s1;
	(tag) =	ssettag s2;
	_ =	strace s9  }
0x27: {  	s1 =	sld [smem:$0x3FA7]  }
0x28: {  	s2 =	sld [smem:$0x3FA8]  }
0x29: {  	s4 =	sld [smem:$0x3FAA]  }
0x2a: {  	p0 =	seq.s32 s5, $0x0;
	s5 =	sld [smem:$0x3FAB]  }
0x2b: {  	s6 =	sld [smem:$0x3FAC]  }
0x2c: {  	s7 =	sld [smem:$0x3FAD]  }
0x2d: {  	s3 =	simm.s32 $0x108;
	s8 =	sld [smem:$0x3FAE]  }
0x2e: {  	s3 =	simm.s32 @!p0 $0x1082;
	s9 =	sld [smem:$0x3FAF]  }
0x2f: {  	lr =	sadd.s32 s0, s3;
	s0 =	sld [smem:$0x3FA6]  }
0x30: {  	s3 =	sld [smem:$0x3FA9]  }
0x31: {  	[smem:$0x3FB2] =	sst s10  }
0x32: {  	s10 =	sld [smem:$0x3FB0];
	_ =	sdelay $0x3  }
0x33: {  	p0 =	seq.s32 s10, $0x1;
	s10 =	sld [smem:$0x3FB2];
	_ =	sdelay $0x3  }
0x34: {  	[smem:$0x3FB2] =	sst s10  }
0x35: {  	s10 =	sld [smem:$0x3FB1];
	_ =	sdelay $0x3  }
0x36: {  	p1 =	seq.s32 s10, $0x1;
	s10 =	sld [smem:$0x3FB2];
	_ =	sdelay $0x3  }
0x37: {  	[smem:$0x3FB2] =	sst s10  }
0x38: {  	s10 =	sld [smem:$0x3FB3]  }
0x39: {  	_ = 	snop;
	(pc) =	sbr.ind lr, $3  }
0x3a: {  	_ = 	snop  }
0x3b: {  	_ = 	snop  }
0x3c: {  	p2 =	seq.s32 s10, $0x1;
	s10 =	sld [smem:$0x3FB2]  }
0x3d: {  	_ =	shalt  }
0x3e: {  	_ =	shalt  }
0x3f: {  	_ =	shalt  }
0x40: {  	_ =	shalt  }
0x41: {  	_ =	shalt  }
0x42: {  	_ =	shalt  }
0x43: {  	_ =	shalt  }
0x44: {  	_ =	shalt  }
0x45: {  	_ =	shalt  }
0x46: {  	_ =	shalt  }
0x47: {  	_ =	shalt  }
0x48: {  	_ =	shalt  }
0x49: {  	_ =	shalt  }
0x4a: {  	_ =	shalt  }
0x4b: {  	_ =	shalt  }
0x4c: {  	_ =	shalt  }
0x4d: {  	_ =	shalt  }
0x4e: {  	_ =	shalt  }
0x4f: {  	_ =	shalt  }
0x50: {  	_ =	shalt  }
0x51: {  	_ =	shalt  }
0x52: {  	_ =	shalt  }
0x53: {  	_ =	shalt  }
0x54: {  	_ =	shalt  }
0x55: {  	_ =	shalt  }
0x56: {  	_ =	shalt  }
0x57: {  	_ =	shalt  }
0x58: {  	_ =	shalt  }
0x59: {  	_ =	shalt  }
0x5a: {  	_ =	shalt  }
0x5b: {  	_ =	shalt  }
0x5c: {  	_ =	shalt  }
0x5d: {  	_ =	shalt  }
0x5e: {  	_ =	shalt  }
0x5f: {  	_ =	shalt  }
0x60: {  	_ =	shalt  }
0x61: {  	_ =	shalt  }
0x62: {  	_ =	shalt  }
0x63: {  	_ =	shalt  }
0x64: {  	_ =	shalt  }
0x65: {  	_ =	shalt  }
0x66: {  	_ =	shalt  }
0x67: {  	_ =	shalt  }
0x68: {  	_ =	shalt  }
0x69: {  	_ =	shalt  }
0x6a: {  	_ =	shalt  }
0x6b: {  	_ =	shalt  }
0x6c: {  	_ =	shalt  }
0x6d: {  	_ =	shalt  }
0x6e: {  	_ =	shalt  }
0x6f: {  	_ =	shalt  }
0x70: {  	_ =	shalt  }
0x71: {  	_ =	shalt  }
0x72: {  	_ =	shalt  }
0x73: {  	_ =	shalt  }
0x74: {  	_ =	shalt  }
0x75: {  	_ =	shalt  }
0x76: {  	_ =	shalt  }
0x77: {  	_ =	shalt  }
0x78: {  	_ =	shalt  }
0x79: {  	_ =	shalt  }
0x7a: {  	_ =	shalt  }
0x7b: {  	_ =	shalt  }
0x7c: {  	_ =	shalt  }
0x7d: {  	_ =	shalt  }
0x7e: {  	_ =	shalt  }
0x7f: {  	_ =	shalt  }
0x80: {  	_ =	shalt  }
0x81: {  	_ =	shalt  }
0x82: {  	_ =	shalt  }
0x83: {  	_ =	shalt  }
0x84: {  	_ =	shalt  }
0x85: {  	_ =	shalt  }
0x86: {  	_ =	shalt  }
0x87: {  	_ =	shalt  }
.Lfunc_end0:
.L_simem_size_0:
called_computation.2_lowered:
.L_overlay_start_0:
0x88: {  	s0 =	sld [smem:$0x3FD9]  }
0x89: {  	s1 =	sld [smem:$0x3FFE];
	_ =	sdelay $0x3  }
0x8a: {  	s0 =	sadd.s32 s1, s0  }
0x8b: {  	[smem:$0x3FBE] =	sst s0  }
0x8c: {  	_ = 	snop  }
0x8d: {  	(tm) =	ssettm $0x1  }
0x8e: {  	s14 =	sld [smem:$0x3FFB];
	_ =	sdelay $0x3  }
0x8f: {  	_ =	strace s14  }
0x90: {  	s0 =	sld [smem:$0x3FFC];
	_ =	sdelay $0x3  }
0x91: {  	_ =	strace s0  }
0x92: {  	s0 =	sld [smem:$0x3FFD];
	_ =	sdelay $0x3  }
0x93: {  	_ =	strace s0  }
0x94: {  	_ =	strace $0x8FFFFFFF  }
0x95: {  	s15 =	sld [smem:$0x3FDB];
	_ =	sdelay $0x1  }
0x96: {  	s16 =	simm.s32 $_scs_section_size  }
0x97: {  	s2 =	simm.s32 $_size__tile_overlayer_lowered;
	s3 =	simm.s32 $_tile_overlayer_lowered  }
0x98: {  	s4 =	simm.s32 $0x1BFF;
	s17 =	sshll.u32 s3, $0x1;
	s1 =	sadd.s32 s16, s15  }
0x99: {  	s18 =	simm.s32 $0x0;
	s2 =	sshll.u32 s2, $0x1;
	s3 =	sadd.s32 s17, s1  }
0x9a: {  	[timem:s18], [sflag:s4] =	dma.local [hbm:s3], s2  }
0x9b: {  	_ =	swait.ge [sflag:s4], s2  }
0x9c: {  	s2 =	ssub.s32 $0x0, s2;
	[sflag:s4] =	ssyncset.done $0x0  }
0x9d: {  	[sflag:s4] =	ssyncadd.s32 s2;
	_ =	sdelay $0x1  }
0x9e: {  	s19 =	simm.s32 $0x1B8B  }
0x9f: {  	_ =	swait.ge [sflag:s19], $0x1  }
0xa0: {  	[sflag:s19] =	ssyncset.done $0x0  }
0xa1: {  	s21 =	simm.s32 $0x1B8E;
	s20 =	sld [smem:$0x3FFE];
	[sflag:s19] =	ssyncadd.s32 $0xFFFFFFFF  }
0xa2: {  	s22 =	simm.s32 $execute0_lowered;
	[smem:$0x3FD2] =	sst s21  }
0xa3: {  	s3 =	sshll.u32 s22, $0x1;
	_ =	strace $0x8000004C;
	[dreg:$0x1] =	wrdreg $0xFFFFFFFF  }
0xa4: {  	s23 =	simm.s32 $_size_execute0_lowered;
	s3 =	sadd.s32 s1, s3;
	[dreg:$0x0] =	wrdreg $0x0  }
0xa5: {  	s4 =	sshll.u32 s23, $0x1;
	[dreg:$0x2] =	wrdreg s3  }
0xa6: {  	[dreg:$0x3] =	wrdreg s4  }
0xa7: {  	[dreg:$0x4] =	wrdreg $0xC0  }
0xa8: {  	s24 =	simm.s32 $execute1_lowered;
	_ =	task [dreg:s18], $0x5FFFF  }
0xa9: {  	s3 =	sshll.u32 s24, $0x1;
	[dreg:$0x1] =	wrdreg $0xFFFFFFFF  }
0xaa: {  	s1 =	sadd.s32 s1, s3;
	[dreg:$0x0] =	wrdreg $0x60  }
0xab: {  	[dreg:$0x2] =	wrdreg s1  }
0xac: {  	[dreg:$0x3] =	wrdreg s20  }
0xad: {  	[dreg:$0x4] =	wrdreg $0x9  }
0xae: {  	_ =	task.clear_ibuf [dreg:s18], $0x5FFFF;
	_ =	strace $0x9000004C  }
0xaf: {  	s25 =	simm.s32 $0x9;
	_ =	strace $0x8000004E  }
0xb0: {  	_ =	swait.ge [sflag:s25], $0x1  }
0xb1: {  	[sflag:s25] =	ssyncadd.s32 $0xFFFFFFFF  }
0xb2: {  	_ =	strace $0x9000004E  }
0xb3: {  	_ =	strace $0x8000004F;
	[dreg:$0x1] =	wrdreg $0xFFFFFFFF  }
0xb4: {  	[dreg:$0x0] =	wrdreg $0x2030  }
0xb5: {  	[dreg:$0x2] =	wrdreg s20  }
0xb6: {  	[dreg:$0x3] =	wrdreg $0xA  }
0xb7: {  	_ =	task.clear_ibuf [dreg:s18], $0x4FFFF;
	_ =	strace $0x9000004F  }
0xb8: {  	s26 =	simm.s32 $0xA;
	_ =	strace $0x80000051  }
0xb9: {  	_ =	swait.ge [sflag:s26], $0x1  }
0xba: {  	[sflag:s26] =	ssyncadd.s32 $0xFFFFFFFF  }
0xbb: {  	_ =	strace $0x90000051  }
0xbc: {  	_ =	sfence  }
0xbd: {  	s28 =	sld [smem:$0x0];
	_ =	sdelay $0x1  }
0xbe: {  	s29 =	srdreg.scid  }
0xbf: {  	s30 =	sshll.u32 s29, $0xD;
	s31 =	sshrl.u32 s29, $0x2  }
0xc0: {  	s2 =	sand.u32 $0x1, s29;
	s3 =	sand.u32 $0x4000, s30;
	s1 =	sadd.s32 s31, s28  }
0xc1: {  	s2 =	sor.u32 s3, s2;
	s1 =	sshll.u32 s1, $0x11  }
0xc2: {  	s1 =	sor.u32 s1, s2  }
0xc3: {  	s1 =	sadd.s32 $0x8F2B, s1  }
0xc4: {  	[sflag:s1] =	ssyncadd.remote.s32 $0x1  }
0xc5: {  	_ =	sfence.sel $0xFFFF  }
0xc6: {  	[dreg:$0x0] =	wrdreg $0xFFFFFFFF;
	(pc) =	sbr.abs _section_cstart, $3  }
0xc7: {  	[dreg:$0x1] =	wrdreg $0xFFFFFFFF  }
0xc8: {  	_ =	task.clear_ibuf [dreg:s18], $0x2FFFF;
	_ =	strace $0x9FFFFFFF  }
0xc9: {  	(tm) =	ssettm $0x7FFFFFFF  }
tec
execute0_lowered:
.L_overlay_start_1:
0x0: {  	(tag) =	ssettag $0x1  }
0x1: {  	s3 =	rddreg [dreg:$0x0]  }
0x2: {  	s2 =	rddreg [dreg:$0x1]  }
0x3: {  	s0 =	rddreg [dreg:$0x2];
	s4 =	stileid.u32  }
0x4: {  	[bflag:$0x3] =	sbarrier.arrive $0xFFFF;
	s1 =	simm.s32 $_size_execute1_lowered;
	p0 =	sne.s32 s4, $0x0  }
0x5: {  	s1 =	sshll.u32 s1, $0x1;
	s5 =	simm.s32 @!p0 $0x1C3F;
	s6 =	simm.s32 @!p0 $0x4060  }
0x6: {  	[timem:s6], [sflag:s5] =	dma.local @!p0 [hbm:s3], s1  }
0x7: {  	s5 =	sshll.u32 s4, $0x5  }
0x8: {  	s29 =	ssub.s32 $0x200, s5  }
0x9: {  	s31 =	sand.u32 $0x1E0, s29  }
0xa: {  	s8 =	simm.s32 $0x1;
	p1 =	sne.s32 s31, $0x0  }
0xb: {  	s6 =	sshrl.u32 s29, $0x9;
	s8 =	simm.s32 @!p1 $0x0  }
0xc: {  	s8 =	sadd.s32 s8, s6  }
0xd: {  	s10 =	sadd.s32 $0x1, s8  }
0xe: {  	p1 =	sne.s32 s10, $0x0  }
.Ltmp0:
0xf: {  	s9 =	simm.s32 $0x0;
	(pc) =	sbr.rel @!p1 .LBB2_1-.Ltmp0, $4  }
0x10: {  	s14 =	simm.s32 $0xFFFFFFFF;
	p3 =	por $0x0, $0x0;
	s30 =	sshll.u32 s4, $0x2  }
0x11: {  	s7 =	sadd.s32 s30, s2;
	s3 =	simm.s32 $0x1;
	_ =	strace $0x8000004D  }
0x12: {  	s4 =	simm.s32 $0x2;
	s7 =	sadd.s32 $0x40A00, s7;
	[sflag:s3] =	ssyncpa.u1 $0x0  }
0x13: {  	[sflag:s4] =	ssyncpa.u1 $0x0;
	s6 =	simm.s32 $0x1;
	p2 =	sle.u32 s8, $0x0  }
0x14: {  	s11 =	sxor.u32 @!p2 $0xFFFFFFFF, s9;
	p1 =	sle.u32 s8, $0xFFFFFFFF  }
0x15: {  	s12 =	simm.s32 @!p2 $0x0;
	s11 =	sand.u32 @!p2 $0x20, s11;
	s13 =	simm.s32 @!p1 $0x1  }
0x16: {  	[tilespmem:s11], [sflag:$0x1] =	stream.linear.gather @!p2 [hbm4b:s7+s12], $0x20, $0x38;
	[tilespmem:$0x80] =	vst v63  }
0x17: {  	_ =	swait.ge @!p1 [sflag:s13], $0x20  }
0x18: {  	[sflag:s13] =	ssyncset.done @!p1 $0x0  }
0x19: {  	s12 =	sand.u32 @!p1 $0x20, s9;
	[sflag:s13] =	ssyncadd.s32 @!p1 $0xFFFFFFE0  }
0x1a: {  	p5 =	sne.s32 s10, $0x1;
	v1 =	vld @!p1 [tilespmem:s12+$0x10]  }
.Ltmp1:
0x1b: {  	v0 =	vld @!p1 [tilespmem:s12+$0x0];
	(pc) =	sbr.rel @!p5 .LBB2_4-.Ltmp1, $4  }
0x1c: {  	s15 =	simm.s32 $0x2  }
0x1d: {  	s14 =	simm.s32 $0x0;
	p4 =	por $0x1, $0x1;
	p3 =	por $0x1, $0x1  }
0x1e: {  	s16 =	simm.s32 @!p1 $0x0;
	s9 =	sshrl.u32 @!p1 s5, $0x3;
	p2 =	sle.u32 s8, $0x1  }
0x1f: {  	s11 =	sadd.s32 @!p1 s2, s9;
	s9 =	simm.s32 $0x20;
	s13 =	sor.u32 @!p1 $0x40, s12;
	[tilespmem:s12+$0x50] =	vst @!p1 v1  }
.LBB2_3:
0x20: {  	s17 =	sxor.u32 @!p2 $0xFFFFFFFF, s9;
	[tilespmem:s12+$0x40] =	vst @!p1 v0;
	s12 =	simm.s32 @!p4 $0x2  }
0x21: {  	s18 =	smov.u32 s6;
	s6 =	smov.u32 s15;
	s19 =	sadd.s32 $0x1, s15  }
0x22: {  	[hbm4b:s11+s16] =	stream.linear.scatter @!p1 [tilespmem:s13], [sflag:$0x2], $0x20, $0x38;
	[tilespmem:$0x80] =	vst v63  }
0x23: {  	s13 =	sand.u32 @!p2 $0x20, s17;
	p1 =	sge.u32 s14, s8;
	_ =	swait.ge @!p4 [sflag:s12], $0x20  }
0x24: {  	s14 =	simm.s32 @!p1 $0x1;
	s11 =	sshrl.u32 @!p1 s5, $0x3;
	[sflag:s12] =	ssyncset.done @!p4 $0x0  }
0x25: {  	s16 =	simm.s32 @!p2 $0x0;
	s11 =	sadd.s32 @!p1 s2, s11;
	[sflag:s12] =	ssyncadd.s32 @!p4 $0xFFFFFFE0  }
0x26: {  	[tilespmem:s13], [sflag:$0x1] =	stream.linear.gather @!p2 [hbm4b:s7+s16], $0x20, $0x38;
	[tilespmem:$0x80] =	vst v63  }
0x27: {  	p5 =	sne.s32 s15, s10;
	_ =	swait.ge @!p1 [sflag:s14], $0x20  }
0x28: {  	s12 =	sand.u32 @!p1 $0x20, s9;
	[sflag:s14] =	ssyncset.done @!p1 $0x0  }
0x29: {  	s13 =	sor.u32 @!p1 $0x40, s12;
	[sflag:s14] =	ssyncadd.s32 @!p1 $0xFFFFFFE0  }
0x2a: {  	v1 =	vld @!p1 [tilespmem:s12+$0x10]  }
.Ltmp2:
0x2b: {  	v0 =	vld @!p1 [tilespmem:s12+$0x0];
	(pc) =	sbr.rel @p5 .LBB2_3-.Ltmp2, $3  }
0x2c: {  	_ =	sdelay $0x1  }
0x2d: {  	s15 =	smov.u32 s19;
	s9 =	sadd.s32 $0x20, s9;
	s16 =	simm.s32 @!p1 $0x0  }
0x2e: {  	p4 =	slt.u32 s18, $0x2;
	p2 =	sge.u32 s6, s8;
	s14 =	sadd.s32 $0xFFFFFFFF, s6;
	[tilespmem:s12+$0x50] =	vst @!p1 v1  }
.LBB2_4:
0x2f: {  	p1 =	por p1, !p3;
	p3 =	por p4, !p3  }
0x30: {  	[tilespmem:s12+$0x40] =	vst @!p1 v0;
	s10 =	simm.s32 @!p3 $0x2  }
0x31: {  	[hbm4b:s11+s16] =	stream.linear.scatter @!p1 [tilespmem:s13], [sflag:$0x2], $0x20, $0x38;
	[tilespmem:$0x80] =	vst v63  }
0x32: {  	s12 =	simm.s32 @!p2 $0x0;
	_ =	swait.ge @!p3 [sflag:s10], $0x20  }
0x33: {  	s11 =	sxor.u32 @!p2 $0xFFFFFFFF, s9;
	p1 =	sge.u32 s14, s8;
	[sflag:s10] =	ssyncset.done @!p3 $0x0  }
0x34: {  	s11 =	sand.u32 @!p2 $0x20, s11;
	s8 =	simm.s32 @!p1 $0x1;
	[sflag:s10] =	ssyncadd.s32 @!p3 $0xFFFFFFE0  }
0x35: {  	[tilespmem:s11], [sflag:$0x1] =	stream.linear.gather @!p2 [hbm4b:s7+s12], $0x20, $0x38;
	[tilespmem:$0x80] =	vst v63  }
0x36: {  	_ =	swait.ge @!p1 [sflag:s8], $0x20  }
0x37: {  	[sflag:s8] =	ssyncset.done @!p1 $0x0  }
0x38: {  	s7 =	sand.u32 @!p1 $0x20, s9;
	[sflag:s8] =	ssyncadd.s32 @!p1 $0xFFFFFFE0  }
0x39: {  	v0 =	vld @!p1 [tilespmem:s7+$0x10]  }
0x3a: {  	v1 =	vld @!p1 [tilespmem:s7+$0x0];
	_ =	sdelay $0x2  }
0x3b: {  	s5 =	sshrl.u32 @!p1 s5, $0x3  }
0x3c: {  	s2 =	sadd.s32 @!p1 s2, s5;
	p2 =	slt.u32 s6, $0x2;
	[tilespmem:s7+$0x50] =	vst @!p1 v0  }
0x3d: {  	s6 =	simm.s32 @!p1 $0x0;
	s5 =	sor.u32 @!p1 $0x40, s7;
	[tilespmem:s7+$0x40] =	vst @!p1 v1;
	s7 =	simm.s32 @!p2 $0x2  }
0x3e: {  	[hbm4b:s2+s6] =	stream.linear.scatter @!p1 [tilespmem:s5], [sflag:$0x2], $0x20, $0x38;
	[tilespmem:$0x80] =	vst v63  }
0x3f: {  	_ =	swait.ge @!p2 [sflag:s7], $0x20  }
0x40: {  	[sflag:s7] =	ssyncset.done @!p2 $0x0  }
0x41: {  	[sflag:s7] =	ssyncadd.s32 @!p2 $0xFFFFFFE0  }
0x42: {  	_ =	sfence.sel $0x180000  }
0x43: {  	[bflag:$0x0] =	sbarrier.arrive $0xFFFF  }
0x44: {  	[sflag:s3] =	ssyncpa.u1 $0x1  }
0x45: {  	[sflag:s4] =	ssyncpa.u1 $0x1  }
0x46: {  	_ =	strace $0x9000004D  }
0x47: {  	s0 =	sadd.s32 @!p0 $0x100000, s0;
	[bflag:$0x2] =	sbarrier.arrive $0xFFFF  }
0x48: {  	[sflag:s0] =	ssyncadd.tile.s32 @!p0 $0x1;
	s0 =	simm.s32 @!p0 $0x3F  }
0x49: {  	_ =	swait.ge @!p0 [sflag:s0], s1  }
0x4a: {  	s1 =	ssub.s32 @!p0 $0x0, s1;
	[sflag:s0] =	ssyncset.done @!p0 $0x0  }
0x4b: {  	[sflag:s0] =	ssyncadd.s32 @!p0 s1  }
0x4c: {  	[bflag:$0x3] =	sbarrier.arrive $0xFFFF  }
0x4d: {  	_ =	shalt  }
.LBB2_1:
.Ltmp3:
0x4e: {  	(pc) =	sbr.rel .LBB2_4-.Ltmp3, $2  }
0x4f: {  	_ =	sdelay $0x2  }
0x50: {  	s6 =	simm.s32 $0x0  }
.Lfunc_end2:
execute1_lowered:
.L_overlay_start_2:
0x51: {  	(tag) =	ssettag $0x2  }
0x52: {  	s1 =	rddreg [dreg:$0x0]  }
0x53: {  	s0 =	rddreg [dreg:$0x1];
	s2 =	stileid.u32  }
0x54: {  	_ =	strace $0x80000050;
	s3 =	simm.s32 $0x3E;
	p0 =	sne.s32 s2, $0x0  }
0x55: {  	[sflag:s3] =	ssyncpa.u1 $0x0;
	s4 =	simm.s32 @!p0 $0x1C3E;
	s5 =	simm.s32 @!p0 $0x0  }
0x56: {  	[spmem:s5], [sflag:s4] =	dma.local @!p0 [hbm:s1], $0x40  }
0x57: {  	s4 =	simm.s32 @!p0 $0x3E  }
0x58: {  	_ =	swait.ge @!p0 [sflag:s4], $0x40  }
0x59: {  	[sflag:s4] =	ssyncset.done @!p0 $0x0  }
0x5a: {  	s25 =	simm.s32 $0x1;
	[sflag:s4] =	ssyncadd.s32 @!p0 $0xFFFFFFC0  }
0x5b: {  	s6 =	simm.s32 $0x2;
	s8 =	simm.s32 $0x0;
	[bflag:$0x0] =	sbarrier.arrive $0xFFFF  }
0x5c: {  	s9 =	simm.s32 $0x40;
	s26 =	sadd.s32 $0x40400, s1;
	[sflag:s3] =	ssyncpa.u1 $0x1  }
0x5d: {  	s7 =	sadd.s32 $0x40C00, s1;
	s2 =	sshll.u32 s2, $0x2;
	[sflag:s25] =	ssyncpa.u1 $0x0  }
0x5e: {  	s4 =	sadd.s32 s26, s2;
	(ifvalue) =	ssetifvalue $0x200;
	[sflag:s6] =	ssyncpa.u1 $0x0  }
0x5f: {  	[tilespmem:s9], [sflag:$0x2] =	stream.linear.gather [hbm4b:s4+s8], $0x20, $0x38;
	[tilespmem:$0xA0] =	vst v63  }
0x60: {  	s28 =	simm.s32 $0x80;
	s2 =	sadd.s32 s7, s2  }
0x61: {  	[tilespmem:s28], [sflag:$0x2] =	stream.linear.gather [hbm4b:s2+s8], $0x20, $0x38;
	[tilespmem:$0xA0] =	vst v63  }
0x62: {  	_ =	swait.ge [sflag:s6], $0x40  }
0x63: {  	[sflag:s6] =	ssyncset.done $0x0  }
0x64: {  	[sflag:s6] =	ssyncadd.s32 $0xFFFFFFC0  }
0x65: {  	v0 =	vld.msk [tilespmem:s9+$0x0 ss:$0x1], $0xffff;
	_ =	sdelay $0x4  }
0x66: {  	v0 =	vmin.u32 v0, $0x200;
	_ =	sdelay $0x3  }
0x67: {  	vm0 =	vmmov $0xffff;
	s29 =	simm.s32 $0x50  }
0x68: {  	[spmem:s8] =	stream.indirect_vreg.scatter.add.s32 [tilespmem:s28], [sflag:$0x1], $0x1, v0, vm0, $0x4038;
	[tilespmem:$0xA0] =	vst v63  }
0x69: {  	v0 =	vld.msk [tilespmem:s29+$0x0 ss:$0x1], $0xffff;
	_ =	sdelay $0x4  }
0x6a: {  	v0 =	vmin.u32 v0, $0x200;
	_ =	sdelay $0x3  }
0x6b: {  	s30 =	simm.s32 $0x90  }
0x6c: {  	[spmem:s8] =	stream.indirect_vreg.scatter.add.s32 [tilespmem:s30], [sflag:$0x1], $0x1, v0, vm0, $0x4038;
	[tilespmem:$0xA0] =	vst v63  }
0x6d: {  	_ =	swait.ge [sflag:s25], $0x20  }
0x6e: {  	[sflag:s25] =	ssyncset.done $0x0  }
0x6f: {  	[sflag:s25] =	ssyncadd.s32 $0xFFFFFFE0  }
0x70: {  	_ =	sfence.sel $0x180000  }
0x71: {  	[bflag:$0x0] =	sbarrier.arrive $0xFFFF  }
0x72: {  	[sflag:s6] =	ssyncpa.u1 $0x1  }
0x73: {  	[sflag:s25] =	ssyncpa.u1 $0x1  }
0x74: {  	_ =	sfence.stream.spmem  }
0x75: {  	s31 =	simm.s32 $0x3D;
	[bflag:$0x0] =	sbarrier.arrive $0xFFFF  }
0x76: {  	s2 =	simm.s32 @p0 $0x3D;
	[sflag:s31] =	ssyncpa.u1 $0x0  }
0x77: {  	[sflag:s2] =	ssyncpa.u1 @p0 $0x1  }
0x78: {  	[bflag:$0x0] =	sbarrier.arrive @p0 $0xFFFF  }
0x79: {  	_ =	strace @p0 $0x90000050  }
0x7a: {  	s2 =	simm.s32 @!p0 $0x1C3D;
	[bflag:$0x2] =	sbarrier.arrive @p0 $0xFFFF  }
0x7b: {  	[hbm:s1], [sflag:s2] =	dma.local @!p0 [spmem:s5], $0x40  }
0x7c: {  	s1 =	simm.s32 @!p0 $0x3D  }
0x7d: {  	_ =	swait.ge @!p0 [sflag:s1], $0x40  }
0x7e: {  	[sflag:s1] =	ssyncset.done @!p0 $0x0  }
0x7f: {  	[sflag:s1] =	ssyncadd.s32 @!p0 $0xFFFFFFC0  }
0x80: {  	[sflag:s1] =	ssyncpa.u1 @!p0 $0x1  }
0x81: {  	[bflag:$0x0] =	sbarrier.arrive @!p0 $0xFFFF  }
0x82: {  	_ =	strace @!p0 $0x90000050  }
0x83: {  	s0 =	sadd.s32 @!p0 $0x100000, s0;
	[bflag:$0x2] =	sbarrier.arrive @!p0 $0xFFFF  }
0x84: {  	[sflag:s0] =	ssyncadd.tile.s32 @!p0 $0x1;
	_ =	shalt  }
.Lfunc_end3:
_tile_overlayer_lowered:
.L_overlay_start_3:
0x85: {  	(tag) =	ssettag $0x3  }
0x86: {  	s0 =	rddreg [dreg:$0x0];
	s2 =	stileid.u32  }
0x87: {  	s1 =	rddreg [dreg:$0x1];
	p0 =	sne.s32 s2, $0x0  }
0x88: {  	s3 =	rddreg [dreg:$0x2];
	[bflag:$0x3] =	sbarrier.arrive $0xFFFF;
	s2 =	simm.s32 @!p0 $0x1C01  }
0x89: {  	[timem:s3], [sflag:s2] =	dma.local @!p0 [hbm:s0], s1  }
0x8a: {  	s0 =	simm.s32 @!p0 $0x1  }
0x8b: {  	_ =	swait.ge @!p0 [sflag:s0], s1  }
0x8c: {  	s1 =	ssub.s32 @!p0 $0x0, s1;
	[sflag:s0] =	ssyncset.done @!p0 $0x0  }
0x8d: {  	[sflag:s0] =	ssyncadd.s32 @!p0 s1  }
0x8e: {  	[bflag:$0x3] =	sbarrier.arrive $0xFFFF  }
0x8f: {  	_ =	shalt  }

// kernel: scatter_offload_async_start
scs
__scs_entry_jumppad:
0x0: {  	(pc) =	sbr.rel $0x88, $3  }
0x1: {  	(tag) =	ssettag $0x0;
	lr =	simm.s32 $0x1  }
0x2: {  	[smem:$0x3F97] =	sst lr;
	_ =	strace $0xD0000000  }
0x3: {  	_ = 	snop  }
0x4: {  	_ = 	snop  }
0x5: {  	_ = 	snop  }
0x6: {  	_ = 	snop  }
0x7: {  	_ = 	snop  }
__scs_overlays_trampoline_lowered:
0x8: {  	[smem:$0x3FA6] =	sst s0  }
0x9: {  	[smem:$0x3FA7] =	sst s1  }
0xa: {  	[smem:$0x3FA8] =	sst s2  }
0xb: {  	[smem:$0x3FA9] =	sst s3  }
0xc: {  	[smem:$0x3FAA] =	sst s4  }
0xd: {  	[smem:$0x3FAB] =	sst s5  }
0xe: {  	[smem:$0x3FAC] =	sst s6  }
0xf: {  	[smem:$0x3FAD] =	sst s7  }
0x10: {  	[smem:$0x3FAE] =	sst s8  }
0x11: {  	[smem:$0x3FAF] =	sst s9;
	s0 =	simm.s32 @!p0 $0x0  }
0x12: {  	s1 =	sld [smem:$0x3F95];
	s0 =	simm.s32 @p0 $0x1  }
0x13: {  	[smem:$0x3FB0] =	sst s0;
	s0 =	simm.s32 @!p1 $0x0  }
0x14: {  	s2 =	sld [smem:$0x3F94];
	s0 =	simm.s32 @p1 $0x1  }
0x15: {  	[smem:$0x3FB1] =	sst s0;
	s0 =	simm.s32 @!p2 $0x0  }
0x16: {  	s3 =	sld [smem:$0x3FDB];
	s0 =	simm.s32 @p2 $0x1  }
0x17: {  	s4 =	simm.s32 $0x1BF5;
	[smem:$0x3FB3] =	sst s0  }
0x18: {  	s0 =	sld [smem:$0x3F96];
	_ =	swait.ge [sflag:s4], $0x0  }
0x19: {  	s7 =	sld [smem:$0x3F97]  }
0x1a: {  	s8 =	sadd.s32 $0xFFFFE003, lr  }
0x1b: {  	s9 =	sadd.s32 $0xFFFFFEF7, lr;
	s5 =	simm.s32 $0xFFFFFFFF;
	p2 =	slt.u32 s8, $0xFFFFF086  }
0x1c: {  	p1 =	slt.u32 s9, $0xF7A;
	s5 =	simm.s32 @!p2 $0x0  }
0x1d: {  	s5 =	simm.s32 @p1 $0x1;
	p0 =	seq.s32 s7, s2  }
0x1e: {  	s7 =	smul.u32 @!p0 $0xF7A, s2;
	p2 =	seq.s32 @!p0 s5, $0x0  }
0x1f: {  	s9 =	smul.u32 $0xF7A, s1;
	s8 =	simm.s32 @!p0 $0x1BF5;
	p2 =	por !p2, p0  }
0x20: {  	[sflag:s8] =	ssyncset.s32 @!p0 $0xFFFFF086;
	s6 =	sadd.s32 @!p0 s3, s7;
	s7 =	simm.s32 @!p0 $0x108  }
0x21: {  	s3 =	sadd.s32 s3, s9;
	s6 =	sadd.s32 @!p0 $0x88, s6;
	s7 =	simm.s32 @p2 $0x1082  }
0x22: {  	[simem:s7], [sflag:s8] =	dma.local @!p0 [hbm:s6], $0xF7A  }
0x23: {  	s9 =	sor.u32 $0xD0000000, s2;
	s6 =	simm.s32 $0x108;
	_ =	swait.ge @!p0 [sflag:s8], $0x0  }
0x24: {  	s3 =	sadd.s32 $0x88, s3;
	s6 =	simm.s32 @!p1 $0x1082;
	[sflag:s4] =	ssyncset.s32 $0xFFFFF086  }
0x25: {  	[simem:s6], [sflag:s4] =	dma.local [hbm:s3], $0xF7A  }
0x26: {  	[smem:$0x3F97] =	sst s1;
	(tag) =	ssettag s2;
	_ =	strace s9  }
0x27: {  	s1 =	sld [smem:$0x3FA7]  }
0x28: {  	s2 =	sld [smem:$0x3FA8]  }
0x29: {  	s4 =	sld [smem:$0x3FAA]  }
0x2a: {  	p0 =	seq.s32 s5, $0x0;
	s5 =	sld [smem:$0x3FAB]  }
0x2b: {  	s6 =	sld [smem:$0x3FAC]  }
0x2c: {  	s7 =	sld [smem:$0x3FAD]  }
0x2d: {  	s3 =	simm.s32 $0x108;
	s8 =	sld [smem:$0x3FAE]  }
0x2e: {  	s3 =	simm.s32 @!p0 $0x1082;
	s9 =	sld [smem:$0x3FAF]  }
0x2f: {  	lr =	sadd.s32 s0, s3;
	s0 =	sld [smem:$0x3FA6]  }
0x30: {  	s3 =	sld [smem:$0x3FA9]  }
0x31: {  	[smem:$0x3FB2] =	sst s10  }
0x32: {  	s10 =	sld [smem:$0x3FB0];
	_ =	sdelay $0x3  }
0x33: {  	p0 =	seq.s32 s10, $0x1;
	s10 =	sld [smem:$0x3FB2];
	_ =	sdelay $0x3  }
0x34: {  	[smem:$0x3FB2] =	sst s10  }
0x35: {  	s10 =	sld [smem:$0x3FB1];
	_ =	sdelay $0x3  }
0x36: {  	p1 =	seq.s32 s10, $0x1;
	s10 =	sld [smem:$0x3FB2];
	_ =	sdelay $0x3  }
0x37: {  	[smem:$0x3FB2] =	sst s10  }
0x38: {  	s10 =	sld [smem:$0x3FB3]  }
0x39: {  	_ = 	snop;
	(pc) =	sbr.ind lr, $3  }
0x3a: {  	_ = 	snop  }
0x3b: {  	_ = 	snop  }
0x3c: {  	p2 =	seq.s32 s10, $0x1;
	s10 =	sld [smem:$0x3FB2]  }
0x3d: {  	_ =	shalt  }
0x3e: {  	_ =	shalt  }
0x3f: {  	_ =	shalt  }
0x40: {  	_ =	shalt  }
0x41: {  	_ =	shalt  }
0x42: {  	_ =	shalt  }
0x43: {  	_ =	shalt  }
0x44: {  	_ =	shalt  }
0x45: {  	_ =	shalt  }
0x46: {  	_ =	shalt  }
0x47: {  	_ =	shalt  }
0x48: {  	_ =	shalt  }
0x49: {  	_ =	shalt  }
0x4a: {  	_ =	shalt  }
0x4b: {  	_ =	shalt  }
0x4c: {  	_ =	shalt  }
0x4d: {  	_ =	shalt  }
0x4e: {  	_ =	shalt  }
0x4f: {  	_ =	shalt  }
0x50: {  	_ =	shalt  }
0x51: {  	_ =	shalt  }
0x52: {  	_ =	shalt  }
0x53: {  	_ =	shalt  }
0x54: {  	_ =	shalt  }
0x55: {  	_ =	shalt  }
0x56: {  	_ =	shalt  }
0x57: {  	_ =	shalt  }
0x58: {  	_ =	shalt  }
0x59: {  	_ =	shalt  }
0x5a: {  	_ =	shalt  }
0x5b: {  	_ =	shalt  }
0x5c: {  	_ =	shalt  }
0x5d: {  	_ =	shalt  }
0x5e: {  	_ =	shalt  }
0x5f: {  	_ =	shalt  }
0x60: {  	_ =	shalt  }
0x61: {  	_ =	shalt  }
0x62: {  	_ =	shalt  }
0x63: {  	_ =	shalt  }
0x64: {  	_ =	shalt  }
0x65: {  	_ =	shalt  }
0x66: {  	_ =	shalt  }
0x67: {  	_ =	shalt  }
0x68: {  	_ =	shalt  }
0x69: {  	_ =	shalt  }
0x6a: {  	_ =	shalt  }
0x6b: {  	_ =	shalt  }
0x6c: {  	_ =	shalt  }
0x6d: {  	_ =	shalt  }
0x6e: {  	_ =	shalt  }
0x6f: {  	_ =	shalt  }
0x70: {  	_ =	shalt  }
0x71: {  	_ =	shalt  }
0x72: {  	_ =	shalt  }
0x73: {  	_ =	shalt  }
0x74: {  	_ =	shalt  }
0x75: {  	_ =	shalt  }
0x76: {  	_ =	shalt  }
0x77: {  	_ =	shalt  }
0x78: {  	_ =	shalt  }
0x79: {  	_ =	shalt  }
0x7a: {  	_ =	shalt  }
0x7b: {  	_ =	shalt  }
0x7c: {  	_ =	shalt  }
0x7d: {  	_ =	shalt  }
0x7e: {  	_ =	shalt  }
0x7f: {  	_ =	shalt  }
0x80: {  	_ =	shalt  }
0x81: {  	_ =	shalt  }
0x82: {  	_ =	shalt  }
0x83: {  	_ =	shalt  }
0x84: {  	_ =	shalt  }
0x85: {  	_ =	shalt  }
0x86: {  	_ =	shalt  }
0x87: {  	_ =	shalt  }
.Lfunc_end0:
.L_simem_size_0:
called_computation_lowered:
.L_overlay_start_0:
0x88: {  	s0 =	sld [smem:$0x3FD9]  }
0x89: {  	s1 =	sld [smem:$0x3FFE];
	_ =	sdelay $0x3  }
0x8a: {  	s0 =	sadd.s32 s1, s0  }
0x8b: {  	[smem:$0x3FBE] =	sst s0  }
0x8c: {  	_ = 	snop  }
0x8d: {  	(tm) =	ssettm $0x1  }
0x8e: {  	s15 =	sld [smem:$0x3FFB];
	_ =	sdelay $0x3  }
0x8f: {  	_ =	strace s15  }
0x90: {  	s0 =	sld [smem:$0x3FFC];
	_ =	sdelay $0x3  }
0x91: {  	_ =	strace s0  }
0x92: {  	s0 =	sld [smem:$0x3FFD];
	_ =	sdelay $0x3  }
0x93: {  	_ =	strace s0  }
0x94: {  	_ =	strace $0x8FFFFFFF  }
0x95: {  	s16 =	sld [smem:$0x3FDB];
	_ =	sdelay $0x1  }
0x96: {  	s17 =	simm.s32 $_scs_section_size  }
0x97: {  	s2 =	simm.s32 $_size__tile_overlayer_lowered;
	s3 =	simm.s32 $_tile_overlayer_lowered  }
0x98: {  	s20 =	simm.s32 $0x1BFF;
	s19 =	sshll.u32 s3, $0x1;
	s0 =	sadd.s32 s17, s16  }
0x99: {  	s4 =	simm.s32 $0x0;
	s18 =	sshll.u32 s2, $0x1;
	s2 =	sadd.s32 s19, s0  }
0x9a: {  	[timem:s4], [sflag:s20] =	dma.local [hbm:s2], s18  }
0x9b: {  	_ =	swait.ge [sflag:s20], s18  }
0x9c: {  	s1 =	ssub.s32 $0x0, s18;
	[sflag:s20] =	ssyncset.done $0x0  }
0x9d: {  	[sflag:s20] =	ssyncadd.s32 s1;
	_ =	sdelay $0x1  }
0x9e: {  	s21 =	simm.s32 $0x1B8B  }
0x9f: {  	_ =	swait.ge [sflag:s21], $0x1  }
0xa0: {  	[sflag:s21] =	ssyncset.done $0x0  }
0xa1: {  	s23 =	simm.s32 $0x1B8E;
	s22 =	sld [smem:$0x3FFE];
	[sflag:s21] =	ssyncadd.s32 $0xFFFFFFFF  }
0xa2: {  	s24 =	simm.s32 $execute0_lowered;
	[smem:$0x3FD2] =	sst s23  }
0xa3: {  	s2 =	sshll.u32 s24, $0x1;
	_ =	strace $0x80000052;
	[dreg:$0x1] =	wrdreg $0xFFFFFFFF  }
0xa4: {  	s25 =	simm.s32 $_size_execute0_lowered;
	s0 =	sadd.s32 s0, s2;
	[dreg:$0x0] =	wrdreg $0x0  }
0xa5: {  	s2 =	sshll.u32 s25, $0x1;
	[dreg:$0x2] =	wrdreg s0  }
0xa6: {  	[dreg:$0x3] =	wrdreg s2  }
0xa7: {  	[dreg:$0x4] =	wrdreg $0xC0  }
0xa8: {  	_ =	task [dreg:s4], $0x5FFFF  }
0xa9: {  	[dreg:$0x1] =	wrdreg $0xFFFFFFFF  }
0xaa: {  	[dreg:$0x0] =	wrdreg $0x60  }
0xab: {  	[dreg:$0x2] =	wrdreg s22  }
0xac: {  	[dreg:$0x3] =	wrdreg $0x9  }
0xad: {  	_ =	task.clear_ibuf [dreg:s4], $0x4FFFF;
	_ =	strace $0x90000052  }
0xae: {  	s26 =	simm.s32 $0x9;
	_ =	strace $0x80000054  }
0xaf: {  	_ =	swait.ge [sflag:s26], $0x1  }
0xb0: {  	[sflag:s26] =	ssyncadd.s32 $0xFFFFFFFF  }
0xb1: {  	_ =	strace $0x90000054  }
0xb2: {  	_ =	sfence  }
0xb3: {  	s28 =	sld [smem:$0x0];
	_ =	sdelay $0x1  }
0xb4: {  	s29 =	srdreg.scid  }
0xb5: {  	s30 =	sshll.u32 s29, $0xD;
	s31 =	sshrl.u32 s29, $0x2  }
0xb6: {  	s1 =	sand.u32 $0x1, s29;
	s2 =	sand.u32 $0x4000, s30;
	s0 =	sadd.s32 s31, s28  }
0xb7: {  	s1 =	sor.u32 s2, s1;
	s0 =	sshll.u32 s0, $0x11  }
0xb8: {  	s0 =	sor.u32 s0, s1  }
0xb9: {  	s0 =	sadd.s32 $0x8F2B, s0  }
0xba: {  	[sflag:s0] =	ssyncadd.remote.s32 $0x1  }
0xbb: {  	_ =	sfence.sel $0xFFFF  }
0xbc: {  	[dreg:$0x0] =	wrdreg $0xFFFFFFFF;
	(pc) =	sbr.abs _section_cstart, $3  }
0xbd: {  	[dreg:$0x1] =	wrdreg $0xFFFFFFFF  }
0xbe: {  	_ =	task.clear_ibuf [dreg:s4], $0x2FFFF;
	_ =	strace $0x9FFFFFFF  }
0xbf: {  	(tm) =	ssettm $0x7FFFFFFF  }
tec
execute0_lowered:
.L_overlay_start_1:
0x0: {  	(tag) =	ssettag $0x1  }
0x1: {  	s1 =	rddreg [dreg:$0x0]  }
0x2: {  	s0 =	rddreg [dreg:$0x1];
	_ =	strace $0x80000053;
	s2 =	stileid.u32  }
0x3: {  	s4 =	simm.s32 $0x3E;
	s3 =	sadd.s32 $0x40A00, s1;
	p0 =	sne.s32 s2, $0x0  }
0x4: {  	[sflag:s4] =	ssyncpa.u1 $0x0;
	s5 =	simm.s32 @!p0 $0x1C3E;
	s6 =	simm.s32 @!p0 $0x0  }
0x5: {  	[spmem:s6], [sflag:s5] =	dma.local @!p0 [hbm:s3], $0x40  }
0x6: {  	s5 =	simm.s32 @!p0 $0x3E  }
0x7: {  	_ =	swait.ge @!p0 [sflag:s5], $0x40  }
0x8: {  	[sflag:s5] =	ssyncset.done @!p0 $0x0  }
0x9: {  	s25 =	simm.s32 $0x1;
	[sflag:s5] =	ssyncadd.s32 @!p0 $0xFFFFFFC0  }
0xa: {  	s7 =	simm.s32 $0x2;
	s8 =	simm.s32 $0x0;
	[bflag:$0x0] =	sbarrier.arrive $0xFFFF  }
0xb: {  	s9 =	simm.s32 $0x40;
	s26 =	sadd.s32 $0x40800, s1;
	[sflag:s4] =	ssyncpa.u1 $0x1  }
0xc: {  	s1 =	sadd.s32 $0x40C00, s1;
	s2 =	sshll.u32 s2, $0x2;
	[sflag:s25] =	ssyncpa.u1 $0x0  }
0xd: {  	s5 =	sadd.s32 s26, s2;
	(ifvalue) =	ssetifvalue $0x200;
	[sflag:s7] =	ssyncpa.u1 $0x0  }
0xe: {  	[tilespmem:s9], [sflag:$0x2] =	stream.linear.gather [hbm4b:s5+s8], $0x20, $0x38;
	[tilespmem:$0xA0] =	vst v63  }
0xf: {  	s28 =	simm.s32 $0x80;
	s1 =	sadd.s32 s1, s2  }
0x10: {  	[tilespmem:s28], [sflag:$0x2] =	stream.linear.gather [hbm4b:s1+s8], $0x20, $0x38;
	[tilespmem:$0xA0] =	vst v63  }
0x11: {  	_ =	swait.ge [sflag:s7], $0x40  }
0x12: {  	[sflag:s7] =	ssyncset.done $0x0  }
0x13: {  	[sflag:s7] =	ssyncadd.s32 $0xFFFFFFC0  }
0x14: {  	v0 =	vld.msk [tilespmem:s9+$0x0 ss:$0x1], $0xffff;
	_ =	sdelay $0x4  }
0x15: {  	v0 =	vmin.u32 v0, $0x200;
	_ =	sdelay $0x3  }
0x16: {  	vm0 =	vmmov $0xffff;
	s29 =	simm.s32 $0x50  }
0x17: {  	[spmem:s8] =	stream.indirect_vreg.scatter.add.s32 [tilespmem:s28], [sflag:$0x1], $0x1, v0, vm0, $0x4038;
	[tilespmem:$0xA0] =	vst v63  }
0x18: {  	v0 =	vld.msk [tilespmem:s29+$0x0 ss:$0x1], $0xffff;
	_ =	sdelay $0x4  }
0x19: {  	v0 =	vmin.u32 v0, $0x200;
	_ =	sdelay $0x3  }
0x1a: {  	s30 =	simm.s32 $0x90  }
0x1b: {  	[spmem:s8] =	stream.indirect_vreg.scatter.add.s32 [tilespmem:s30], [sflag:$0x1], $0x1, v0, vm0, $0x4038;
	[tilespmem:$0xA0] =	vst v63  }
0x1c: {  	_ =	swait.ge [sflag:s25], $0x20  }
0x1d: {  	[sflag:s25] =	ssyncset.done $0x0  }
0x1e: {  	[sflag:s25] =	ssyncadd.s32 $0xFFFFFFE0  }
0x1f: {  	_ =	sfence.sel $0x180000  }
0x20: {  	[bflag:$0x0] =	sbarrier.arrive $0xFFFF  }
0x21: {  	[sflag:s7] =	ssyncpa.u1 $0x1  }
0x22: {  	[sflag:s25] =	ssyncpa.u1 $0x1  }
0x23: {  	_ =	sfence.stream.spmem  }
0x24: {  	s31 =	simm.s32 $0x3D;
	[bflag:$0x0] =	sbarrier.arrive $0xFFFF  }
0x25: {  	s1 =	simm.s32 @p0 $0x3D;
	[sflag:s31] =	ssyncpa.u1 $0x0  }
0x26: {  	[sflag:s1] =	ssyncpa.u1 @p0 $0x1  }
0x27: {  	[bflag:$0x0] =	sbarrier.arrive @p0 $0xFFFF  }
0x28: {  	_ =	strace @p0 $0x90000053  }
0x29: {  	s1 =	simm.s32 @!p0 $0x1C3D;
	[bflag:$0x2] =	sbarrier.arrive @p0 $0xFFFF  }
0x2a: {  	[hbm:s3], [sflag:s1] =	dma.local @!p0 [spmem:s6], $0x40  }
0x2b: {  	s1 =	simm.s32 @!p0 $0x3D  }
0x2c: {  	_ =	swait.ge @!p0 [sflag:s1], $0x40  }
0x2d: {  	[sflag:s1] =	ssyncset.done @!p0 $0x0  }
0x2e: {  	[sflag:s1] =	ssyncadd.s32 @!p0 $0xFFFFFFC0  }
0x2f: {  	[sflag:s1] =	ssyncpa.u1 @!p0 $0x1  }
0x30: {  	[bflag:$0x0] =	sbarrier.arrive @!p0 $0xFFFF  }
0x31: {  	_ =	strace @!p0 $0x90000053  }
0x32: {  	s0 =	sadd.s32 @!p0 $0x100000, s0;
	[bflag:$0x2] =	sbarrier.arrive @!p0 $0xFFFF  }
0x33: {  	[sflag:s0] =	ssyncadd.tile.s32 @!p0 $0x1;
	_ =	shalt  }
.Lfunc_end2:
_tile_overlayer_lowered:
.L_overlay_start_2:
0x34: {  	(tag) =	ssettag $0x2  }
0x35: {  	s0 =	rddreg [dreg:$0x0];
	s2 =	stileid.u32  }
0x36: {  	s1 =	rddreg [dreg:$0x1];
	p0 =	sne.s32 s2, $0x0  }
0x37: {  	s3 =	rddreg [dreg:$0x2];
	[bflag:$0x3] =	sbarrier.arrive $0xFFFF;
	s2 =	simm.s32 @!p0 $0x1C01  }
0x38: {  	[timem:s3], [sflag:s2] =	dma.local @!p0 [hbm:s0], s1  }
0x39: {  	s0 =	simm.s32 @!p0 $0x1  }
0x3a: {  	_ =	swait.ge @!p0 [sflag:s0], s1  }
0x3b: {  	s1 =	ssub.s32 @!p0 $0x0, s1;
	[sflag:s0] =	ssyncset.done @!p0 $0x0  }
0x3c: {  	[sflag:s0] =	ssyncadd.s32 @!p0 s1  }
0x3d: {  	[bflag:$0x3] =	sbarrier.arrive $0xFFFF  }
0x3e: {  	_ =	shalt  }

</sc_bundles>
